<compile_context>
chip_gen: v7x
topology: tpu7x:2x2x1
jax: 0.10.2.dev20260603
libtpu: 0.0.44.dev20260713+nightly
codegen_flags: <defaults>
</compile_context>

<pallas_src>
import functools

import jax
import jax.numpy as jnp
from jax import lax
from jax.experimental import pallas as pl
from jax.experimental.pallas import tpu as pltpu
from jax.experimental.pallas import tpu_sc as plsc

BATCH = 16384
KNOW = 128
NC, NS = 2, 16
NW = NC * NS
BPW = BATCH // NW
CH = 128
NCH = BPW // CH
T_INV = 1.0 / 50.0
TC_ROWS = 4096


def _gather_body(user_hbm, item_hbm, theta_hbm, slip_hbm, guess_hbm,
                 thg_hbm, sraw_hbm, graw_hbm,
                 idx_u, idx_i, t0, t1, t2, t3, s0, s1, s2, s3,
                 g0, g1, g2, g3, sem_i0, sem_i1, sem_i2, sem_i3, sem_o):
    wid = lax.axis_index("s") * NC + lax.axis_index("c")
    base = wid * BPW

    pltpu.sync_copy(user_hbm.at[pl.ds(base, BPW)], idx_u)
    pltpu.sync_copy(item_hbm.at[pl.ds(base, BPW)], idx_i)

    tb, sb, gb = (t0, t1, t2, t3), (s0, s1, s2, s3), (g0, g1, g2, g3)
    sem_i = (sem_i0, sem_i1, sem_i2, sem_i3)

    def fire_in(ch):
        ids = pl.ds(ch * CH, CH)
        return (
            pltpu.async_copy(theta_hbm.at[idx_u.at[ids]], tb[ch], sem_i[ch]),
            pltpu.async_copy(slip_hbm.at[idx_i.at[ids]], sb[ch], sem_i[ch]),
            pltpu.async_copy(guess_hbm.at[idx_i.at[ids]], gb[ch], sem_i[ch]),
        )

    def fire_out(ch):
        ids = pl.ds(base + ch * CH, CH)
        return (
            pltpu.async_copy(tb[ch], thg_hbm.at[ids], sem_o),
            pltpu.async_copy(sb[ch], sraw_hbm.at[ids], sem_o),
            pltpu.async_copy(gb[ch], graw_hbm.at[ids], sem_o),
        )

    pend_in = [fire_in(ch) for ch in range(NCH)]
    pend_out = []
    for ch in range(NCH):
        for c in pend_in[ch]:
            c.wait()
        pend_out.append(fire_out(ch))
    for out_cp in pend_out:
        for c in out_cp:
            c.wait()


@jax.jit
def _sc_gather(user, item, theta_table, slip_flat, guess_flat):
    run = pl.kernel(
        _gather_body,
        out_type=(
            jax.ShapeDtypeStruct((BATCH, KNOW), jnp.float32),
            jax.ShapeDtypeStruct((BATCH,), jnp.float32),
            jax.ShapeDtypeStruct((BATCH,), jnp.float32),
        ),
        mesh=plsc.VectorSubcoreMesh(core_axis_name="c", subcore_axis_name="s",
                                    num_cores=NC, num_subcores=NS),
        compiler_params=pltpu.CompilerParams(needs_layout_passes=False),
        scratch_types=(
            [pltpu.VMEM((BPW,), jnp.int32)] * 2
            + [pltpu.VMEM((CH, KNOW), jnp.float32)] * NCH
            + [pltpu.VMEM((CH,), jnp.float32)] * NCH
            + [pltpu.VMEM((CH,), jnp.float32)] * NCH
            + [pltpu.SemaphoreType.DMA] * (NCH + 1)
        ),
        name="dina_sc_gather",
    )
    return run(user, item, theta_table, slip_flat, guess_flat)


def _combine_body(th_ref, kn_ref, sr_ref, gr_ref, o_ref):
    th = th_ref[...]
    kn = kn_ref[...]
    s = 0.5 * jnp.tanh(0.5 * th)
    prod_t = lax.transpose(kn * s, (1, 0))
    n = jnp.sum(prod_t, axis=0)
    p = 0.5 * jnp.tanh((0.5 * T_INV) * n) + 0.5
    slip = 0.2 * jnp.tanh(0.5 * sr_ref[...]) + 0.2
    guess = 0.2 * jnp.tanh(0.5 * gr_ref[...]) + 0.2
    o_ref[...] = guess + (1.0 - slip - guess) * p


@jax.jit
def _tc_combine(theta_g, knowledge, s_raw, g_raw):
    return pl.pallas_call(
        _combine_body,
        grid=(BATCH // TC_ROWS,),
        in_specs=[
            pl.BlockSpec((TC_ROWS, KNOW), lambda i: (i, 0)),
            pl.BlockSpec((TC_ROWS, KNOW), lambda i: (i, 0)),
            pl.BlockSpec((TC_ROWS,), lambda i: (i,)),
            pl.BlockSpec((TC_ROWS,), lambda i: (i,)),
        ],
        out_specs=pl.BlockSpec((TC_ROWS,), lambda i: (i,)),
        out_shape=jax.ShapeDtypeStruct((BATCH,), jnp.float32),
        name="dina_tc_combine",
    )(theta_g, knowledge, s_raw, g_raw)


def kernel(user, item, knowledge, theta_table, slip_table, guess_table):
    theta_g, s_raw, g_raw = _sc_gather(
        user, item, theta_table,
        slip_table.reshape(-1), guess_table.reshape(-1))
    return _tc_combine(theta_g, knowledge, s_raw, g_raw)

# --- scband reference (transcript-rebuilt; emitter-appended) ---
"""Pipeline reference for scband-dina-26912265076829 (READ-ONLY COPY).

The authoritative reference and input builder live on the scoring server;
editing this copy changes nothing except your own understanding.
"""

import jax, jax.numpy as jnp
import numpy as np

STUDENT_N = 1000000
EXER_N = 100000
KNOW_N = 128
BATCH = 16384
MAX_SLIP = 0.4
MAX_GUESS = 0.4


def setup_inputs(seed: int = 0) -> dict:
    key = jax.random.key(seed)
    k1, k2, k3, k4, k5, k6 = jax.random.split(key, 6)
    user = jax.random.randint(k1, (BATCH,), 0, STUDENT_N, dtype=jnp.int64 if jax.config.jax_enable_x64 else jnp.int32).astype(jnp.int32)
    item = jax.random.randint(k2, (BATCH,), 0, EXER_N).astype(jnp.int32)
    knowledge = jax.random.uniform(k3, (BATCH, KNOW_N), dtype=jnp.float32)
    theta_table = jax.random.normal(k4, (STUDENT_N, KNOW_N), dtype=jnp.float32)
    slip_table = jax.random.normal(k5, (EXER_N, 1), dtype=jnp.float32)
    guess_table = jax.random.normal(k6, (EXER_N, 1), dtype=jnp.float32)
    return {"user": user, "item": item, "knowledge": knowledge,
            "theta_table": theta_table, "slip_table": slip_table, "guess_table": guess_table}


def reference(user, item, knowledge, theta_table, slip_table, guess_table):
    # gather embeddings (SparseCore-friendly)
    theta = jnp.take(theta_table, user, axis=0)            # [B, K]
    slip = jnp.squeeze(jax.nn.sigmoid(jnp.take(slip_table, item, axis=0))) * MAX_SLIP   # [B]
    guess = jnp.squeeze(jax.nn.sigmoid(jnp.take(guess_table, item, axis=0))) * MAX_GUESS  # [B]
    n = jnp.sum(knowledge * (jax.nn.sigmoid(theta) - 0.5), axis=1)  # [B]
    # step = 0 (fresh module): t = max((sin(0) + 1) / 2 * 100, 1e-6) = 50.0
    t = max((np.sin(2 * np.pi * 0 / 1000) + 1) / 2 * 100, 1e-06)
    coef = jnp.stack([1.0 - slip, guess]).T                 # [B, 2]
    probs = jax.nn.softmax(jnp.stack([n, jnp.zeros_like(n)]).T / t, axis=-1)  # [B, 2]
    output = jnp.sum(coef * probs, axis=1)                  # [B]
    return output

if __name__ == "__main__":
    import jax
    _d = setup_inputs()
    print(jax.jit(kernel)(*tuple(_d.values())))

</pallas_src>

<mosaic_0001>
#map = affine_map<(d0, d1) -> (0)>
#map1 = affine_map<(d0, d1) -> (0, 0)>
module attributes {stable_mosaic.version = 14 : i64} {
  func.func @dina_sc_gather(%arg0: i32, %arg1: i32, %arg2: memref<16384xi32, #tpu.memory_space<hbm>>, %arg3: memref<16384xi32, #tpu.memory_space<hbm>>, %arg4: memref<1000000x128xf32, #tpu.memory_space<hbm>>, %arg5: memref<100000xf32, #tpu.memory_space<hbm>>, %arg6: memref<100000xf32, #tpu.memory_space<hbm>>, %arg7: memref<16384x128xf32, #tpu.memory_space<hbm>>, %arg8: memref<16384xf32, #tpu.memory_space<hbm>>, %arg9: memref<16384xf32, #tpu.memory_space<hbm>>, %arg10: memref<512xi32, #tpu.memory_space<vmem>>, %arg11: memref<512xi32, #tpu.memory_space<vmem>>, %arg12: memref<128x128xf32, #tpu.memory_space<vmem>>, %arg13: memref<128x128xf32, #tpu.memory_space<vmem>>, %arg14: memref<128x128xf32, #tpu.memory_space<vmem>>, %arg15: memref<128x128xf32, #tpu.memory_space<vmem>>, %arg16: memref<128xf32, #tpu.memory_space<vmem>>, %arg17: memref<128xf32, #tpu.memory_space<vmem>>, %arg18: memref<128xf32, #tpu.memory_space<vmem>>, %arg19: memref<128xf32, #tpu.memory_space<vmem>>, %arg20: memref<128xf32, #tpu.memory_space<vmem>>, %arg21: memref<128xf32, #tpu.memory_space<vmem>>, %arg22: memref<128xf32, #tpu.memory_space<vmem>>, %arg23: memref<128xf32, #tpu.memory_space<vmem>>, %arg24: memref<!tpu.dma_semaphore, #tpu.memory_space<semaphore_mem>>, %arg25: memref<!tpu.dma_semaphore, #tpu.memory_space<semaphore_mem>>, %arg26: memref<!tpu.dma_semaphore, #tpu.memory_space<semaphore_mem>>, %arg27: memref<!tpu.dma_semaphore, #tpu.memory_space<semaphore_mem>>, %arg28: memref<!tpu.dma_semaphore, #tpu.memory_space<semaphore_mem>>) attributes {dimension_semantics = [#tpu.dimension_semantics<core_parallel>, #tpu.dimension_semantics<subcore_parallel>], iteration_bounds = array<i64: 2, 16>, scalar_prefetch = 0 : i64, scratch_operands = 19 : i64, tpu.core_type = #tpu.core_type<sc_vector_subcore>, window_params = [{transform_indices = #map}, {transform_indices = #map}, {transform_indices = #map1}, {transform_indices = #map}, {transform_indices = #map}, {transform_indices = #map1}, {transform_indices = #map}, {transform_indices = #map}]} {
    %mul3A = arith.constant 2 : i32
    %mul3A_0 = arith.muli %arg1, %mul3A : i32
    %add3A = arith.addi %mul3A_0, %arg0 : i32
    %mul3A_1 = arith.constant 512 : i32
    %mul3A_2 = arith.muli %add3A, %mul3A_1 : i32
    "tpu.region"() ({
      %run_scoped3A = tpu.sem_alloc : memref<!tpu.dma_semaphore, #tpu.memory_space<semaphore_mem>>
      %dma_start3A_177 = tpu.memref_slice %arg2[%mul3A_2] : memref<16384xi32, #tpu.memory_space<hbm>> -> memref<512xi32, #tpu.memory_space<hbm>>
      %dma_start3A_178 = tpu.memref_slice %arg2[%mul3A_2] : memref<16384xi32, #tpu.memory_space<hbm>> -> memref<512xi32, #tpu.memory_space<hbm>>
      tpu.enqueue_dma source(%dma_start3A_178 : memref<512xi32, #tpu.memory_space<hbm>>) target(%arg10 : memref<512xi32, #tpu.memory_space<vmem>>) target_semaphore(%run_scoped3A : memref<!tpu.dma_semaphore, #tpu.memory_space<semaphore_mem>>)
      %dma_wait3A_179 = tpu.memref_slice %arg2[%mul3A_2] : memref<16384xi32, #tpu.memory_space<hbm>> -> memref<512xi32, #tpu.memory_space<hbm>>
      %dma_wait3A_180 = tpu.memref_slice %arg2[%mul3A_2] : memref<16384xi32, #tpu.memory_space<hbm>> -> memref<512xi32, #tpu.memory_space<hbm>>
      tpu.wait_dma2 semaphore(%run_scoped3A : memref<!tpu.dma_semaphore, #tpu.memory_space<semaphore_mem>>) src(%dma_wait3A_180 : memref<512xi32, #tpu.memory_space<hbm>>) dst(%arg10 : memref<512xi32, #tpu.memory_space<vmem>>)
      tpu.yield
    }) : () -> ()
    "tpu.region"() ({
      %run_scoped3A = tpu.sem_alloc : memref<!tpu.dma_semaphore, #tpu.memory_space<semaphore_mem>>
      %dma_start3A_177 = tpu.memref_slice %arg3[%mul3A_2] : memref<16384xi32, #tpu.memory_space<hbm>> -> memref<512xi32, #tpu.memory_space<hbm>>
      %dma_start3A_178 = tpu.memref_slice %arg3[%mul3A_2] : memref<16384xi32, #tpu.memory_space<hbm>> -> memref<512xi32, #tpu.memory_space<hbm>>
      tpu.enqueue_dma source(%dma_start3A_178 : memref<512xi32, #tpu.memory_space<hbm>>) target(%arg11 : memref<512xi32, #tpu.memory_space<vmem>>) target_semaphore(%run_scoped3A : memref<!tpu.dma_semaphore, #tpu.memory_space<semaphore_mem>>)
      %dma_wait3A_179 = tpu.memref_slice %arg3[%mul3A_2] : memref<16384xi32, #tpu.memory_space<hbm>> -> memref<512xi32, #tpu.memory_space<hbm>>
      %dma_wait3A_180 = tpu.memref_slice %arg3[%mul3A_2] : memref<16384xi32, #tpu.memory_space<hbm>> -> memref<512xi32, #tpu.memory_space<hbm>>
      tpu.wait_dma2 semaphore(%run_scoped3A : memref<!tpu.dma_semaphore, #tpu.memory_space<semaphore_mem>>) src(%dma_wait3A_180 : memref<512xi32, #tpu.memory_space<hbm>>) dst(%arg11 : memref<512xi32, #tpu.memory_space<vmem>>)
      tpu.yield
    }) : () -> ()
    %dma_start3A = arith.constant 0 : i32
    %dma_start3A_3 = tpu.memref_slice %arg10[%dma_start3A] : memref<512xi32, #tpu.memory_space<vmem>> -> memref<128xi32, #tpu.memory_space<vmem>>
    %dma_start3A_4 = arith.constant 0 : i32
    %dma_start3A_5 = arith.constant 0 : i32
    %dma_start3A_6 = tpu.memref_slice %arg4[%dma_start3A_4, %dma_start3A_5] : memref<1000000x128xf32, #tpu.memory_space<hbm>> -> memref<1000000x128xf32, #tpu.memory_space<hbm>>
    tpu.enqueue_indirect_dma source(%dma_start3A_6 : memref<1000000x128xf32, #tpu.memory_space<hbm>>) target(%arg12 : memref<128x128xf32, #tpu.memory_space<vmem>>) offsets(%dma_start3A_3 : memref<128xi32, #tpu.memory_space<vmem>>) semaphore(%arg24 : memref<!tpu.dma_semaphore, #tpu.memory_space<semaphore_mem>>)
    %dma_start3A_7 = arith.constant 0 : i32
    %dma_start3A_8 = tpu.memref_slice %arg11[%dma_start3A_7] : memref<512xi32, #tpu.memory_space<vmem>> -> memref<128xi32, #tpu.memory_space<vmem>>
    %dma_start3A_9 = arith.constant 0 : i32
    %dma_start3A_10 = tpu.memref_slice %arg5[%dma_start3A_9] : memref<100000xf32, #tpu.memory_space<hbm>> -> memref<100000xf32, #tpu.memory_space<hbm>>
    tpu.enqueue_indirect_dma source(%dma_start3A_10 : memref<100000xf32, #tpu.memory_space<hbm>>) target(%arg16 : memref<128xf32, #tpu.memory_space<vmem>>) offsets(%dma_start3A_8 : memref<128xi32, #tpu.memory_space<vmem>>) semaphore(%arg24 : memref<!tpu.dma_semaphore, #tpu.memory_space<semaphore_mem>>)
    %dma_start3A_11 = arith.constant 0 : i32
    %dma_start3A_12 = tpu.memref_slice %arg11[%dma_start3A_11] : memref<512xi32, #tpu.memory_space<vmem>> -> memref<128xi32, #tpu.memory_space<vmem>>
    %dma_start3A_13 = arith.constant 0 : i32
    %dma_start3A_14 = tpu.memref_slice %arg6[%dma_start3A_13] : memref<100000xf32, #tpu.memory_space<hbm>> -> memref<100000xf32, #tpu.memory_space<hbm>>
    tpu.enqueue_indirect_dma source(%dma_start3A_14 : memref<100000xf32, #tpu.memory_space<hbm>>) target(%arg20 : memref<128xf32, #tpu.memory_space<vmem>>) offsets(%dma_start3A_12 : memref<128xi32, #tpu.memory_space<vmem>>) semaphore(%arg24 : memref<!tpu.dma_semaphore, #tpu.memory_space<semaphore_mem>>)
    %dma_start3A_15 = arith.constant 128 : i32
    %dma_start3A_16 = tpu.memref_slice %arg10[%dma_start3A_15] : memref<512xi32, #tpu.memory_space<vmem>> -> memref<128xi32, #tpu.memory_space<vmem>>
    %dma_start3A_17 = arith.constant 0 : i32
    %dma_start3A_18 = arith.constant 0 : i32
    %dma_start3A_19 = tpu.memref_slice %arg4[%dma_start3A_17, %dma_start3A_18] : memref<1000000x128xf32, #tpu.memory_space<hbm>> -> memref<1000000x128xf32, #tpu.memory_space<hbm>>
    tpu.enqueue_indirect_dma source(%dma_start3A_19 : memref<1000000x128xf32, #tpu.memory_space<hbm>>) target(%arg13 : memref<128x128xf32, #tpu.memory_space<vmem>>) offsets(%dma_start3A_16 : memref<128xi32, #tpu.memory_space<vmem>>) semaphore(%arg25 : memref<!tpu.dma_semaphore, #tpu.memory_space<semaphore_mem>>)
    %dma_start3A_20 = arith.constant 128 : i32
    %dma_start3A_21 = tpu.memref_slice %arg11[%dma_start3A_20] : memref<512xi32, #tpu.memory_space<vmem>> -> memref<128xi32, #tpu.memory_space<vmem>>
    %dma_start3A_22 = arith.constant 0 : i32
    %dma_start3A_23 = tpu.memref_slice %arg5[%dma_start3A_22] : memref<100000xf32, #tpu.memory_space<hbm>> -> memref<100000xf32, #tpu.memory_space<hbm>>
    tpu.enqueue_indirect_dma source(%dma_start3A_23 : memref<100000xf32, #tpu.memory_space<hbm>>) target(%arg17 : memref<128xf32, #tpu.memory_space<vmem>>) offsets(%dma_start3A_21 : memref<128xi32, #tpu.memory_space<vmem>>) semaphore(%arg25 : memref<!tpu.dma_semaphore, #tpu.memory_space<semaphore_mem>>)
    %dma_start3A_24 = arith.constant 128 : i32
    %dma_start3A_25 = tpu.memref_slice %arg11[%dma_start3A_24] : memref<512xi32, #tpu.memory_space<vmem>> -> memref<128xi32, #tpu.memory_space<vmem>>
    %dma_start3A_26 = arith.constant 0 : i32
    %dma_start3A_27 = tpu.memref_slice %arg6[%dma_start3A_26] : memref<100000xf32, #tpu.memory_space<hbm>> -> memref<100000xf32, #tpu.memory_space<hbm>>
    tpu.enqueue_indirect_dma source(%dma_start3A_27 : memref<100000xf32, #tpu.memory_space<hbm>>) target(%arg21 : memref<128xf32, #tpu.memory_space<vmem>>) offsets(%dma_start3A_25 : memref<128xi32, #tpu.memory_space<vmem>>) semaphore(%arg25 : memref<!tpu.dma_semaphore, #tpu.memory_space<semaphore_mem>>)
    %dma_start3A_28 = arith.constant 256 : i32
    %dma_start3A_29 = tpu.memref_slice %arg10[%dma_start3A_28] : memref<512xi32, #tpu.memory_space<vmem>> -> memref<128xi32, #tpu.memory_space<vmem>>
    %dma_start3A_30 = arith.constant 0 : i32
    %dma_start3A_31 = arith.constant 0 : i32
    %dma_start3A_32 = tpu.memref_slice %arg4[%dma_start3A_30, %dma_start3A_31] : memref<1000000x128xf32, #tpu.memory_space<hbm>> -> memref<1000000x128xf32, #tpu.memory_space<hbm>>
    tpu.enqueue_indirect_dma source(%dma_start3A_32 : memref<1000000x128xf32, #tpu.memory_space<hbm>>) target(%arg14 : memref<128x128xf32, #tpu.memory_space<vmem>>) offsets(%dma_start3A_29 : memref<128xi32, #tpu.memory_space<vmem>>) semaphore(%arg26 : memref<!tpu.dma_semaphore, #tpu.memory_space<semaphore_mem>>)
    %dma_start3A_33 = arith.constant 256 : i32
    %dma_start3A_34 = tpu.memref_slice %arg11[%dma_start3A_33] : memref<512xi32, #tpu.memory_space<vmem>> -> memref<128xi32, #tpu.memory_space<vmem>>
    %dma_start3A_35 = arith.constant 0 : i32
    %dma_start3A_36 = tpu.memref_slice %arg5[%dma_start3A_35] : memref<100000xf32, #tpu.memory_space<hbm>> -> memref<100000xf32, #tpu.memory_space<hbm>>
    tpu.enqueue_indirect_dma source(%dma_start3A_36 : memref<100000xf32, #tpu.memory_space<hbm>>) target(%arg18 : memref<128xf32, #tpu.memory_space<vmem>>) offsets(%dma_start3A_34 : memref<128xi32, #tpu.memory_space<vmem>>) semaphore(%arg26 : memref<!tpu.dma_semaphore, #tpu.memory_space<semaphore_mem>>)
    %dma_start3A_37 = arith.constant 256 : i32
    %dma_start3A_38 = tpu.memref_slice %arg11[%dma_start3A_37] : memref<512xi32, #tpu.memory_space<vmem>> -> memref<128xi32, #tpu.memory_space<vmem>>
    %dma_start3A_39 = arith.constant 0 : i32
    %dma_start3A_40 = tpu.memref_slice %arg6[%dma_start3A_39] : memref<100000xf32, #tpu.memory_space<hbm>> -> memref<100000xf32, #tpu.memory_space<hbm>>
    tpu.enqueue_indirect_dma source(%dma_start3A_40 : memref<100000xf32, #tpu.memory_space<hbm>>) target(%arg22 : memref<128xf32, #tpu.memory_space<vmem>>) offsets(%dma_start3A_38 : memref<128xi32, #tpu.memory_space<vmem>>) semaphore(%arg26 : memref<!tpu.dma_semaphore, #tpu.memory_space<semaphore_mem>>)
    %dma_start3A_41 = arith.constant 384 : i32
    %dma_start3A_42 = tpu.memref_slice %arg10[%dma_start3A_41] : memref<512xi32, #tpu.memory_space<vmem>> -> memref<128xi32, #tpu.memory_space<vmem>>
    %dma_start3A_43 = arith.constant 0 : i32
    %dma_start3A_44 = arith.constant 0 : i32
    %dma_start3A_45 = tpu.memref_slice %arg4[%dma_start3A_43, %dma_start3A_44] : memref<1000000x128xf32, #tpu.memory_space<hbm>> -> memref<1000000x128xf32, #tpu.memory_space<hbm>>
    tpu.enqueue_indirect_dma source(%dma_start3A_45 : memref<1000000x128xf32, #tpu.memory_space<hbm>>) target(%arg15 : memref<128x128xf32, #tpu.memory_space<vmem>>) offsets(%dma_start3A_42 : memref<128xi32, #tpu.memory_space<vmem>>) semaphore(%arg27 : memref<!tpu.dma_semaphore, #tpu.memory_space<semaphore_mem>>)
    %dma_start3A_46 = arith.constant 384 : i32
    %dma_start3A_47 = tpu.memref_slice %arg11[%dma_start3A_46] : memref<512xi32, #tpu.memory_space<vmem>> -> memref<128xi32, #tpu.memory_space<vmem>>
    %dma_start3A_48 = arith.constant 0 : i32
    %dma_start3A_49 = tpu.memref_slice %arg5[%dma_start3A_48] : memref<100000xf32, #tpu.memory_space<hbm>> -> memref<100000xf32, #tpu.memory_space<hbm>>
    tpu.enqueue_indirect_dma source(%dma_start3A_49 : memref<100000xf32, #tpu.memory_space<hbm>>) target(%arg19 : memref<128xf32, #tpu.memory_space<vmem>>) offsets(%dma_start3A_47 : memref<128xi32, #tpu.memory_space<vmem>>) semaphore(%arg27 : memref<!tpu.dma_semaphore, #tpu.memory_space<semaphore_mem>>)
    %dma_start3A_50 = arith.constant 384 : i32
    %dma_start3A_51 = tpu.memref_slice %arg11[%dma_start3A_50] : memref<512xi32, #tpu.memory_space<vmem>> -> memref<128xi32, #tpu.memory_space<vmem>>
    %dma_start3A_52 = arith.constant 0 : i32
    %dma_start3A_53 = tpu.memref_slice %arg6[%dma_start3A_52] : memref<100000xf32, #tpu.memory_space<hbm>> -> memref<100000xf32, #tpu.memory_space<hbm>>
    tpu.enqueue_indirect_dma source(%dma_start3A_53 : memref<100000xf32, #tpu.memory_space<hbm>>) target(%arg23 : memref<128xf32, #tpu.memory_space<vmem>>) offsets(%dma_start3A_51 : memref<128xi32, #tpu.memory_space<vmem>>) semaphore(%arg27 : memref<!tpu.dma_semaphore, #tpu.memory_space<semaphore_mem>>)
    %dma_wait3A = arith.constant 0 : i32
    %dma_wait3A_54 = tpu.memref_slice %arg10[%dma_wait3A] : memref<512xi32, #tpu.memory_space<vmem>> -> memref<128xi32, #tpu.memory_space<vmem>>
    %dma_wait3A_55 = arith.constant 0 : i32
    %dma_wait3A_56 = arith.constant 0 : i32
    %dma_wait3A_57 = tpu.memref_slice %arg4[%dma_wait3A_55, %dma_wait3A_56] : memref<1000000x128xf32, #tpu.memory_space<hbm>> -> memref<1000000x128xf32, #tpu.memory_space<hbm>>
    tpu.wait_indirect_dma semaphore(%arg24 : memref<!tpu.dma_semaphore, #tpu.memory_space<semaphore_mem>>) src(%dma_wait3A_57 : memref<1000000x128xf32, #tpu.memory_space<hbm>>) dst(%arg12 : memref<128x128xf32, #tpu.memory_space<vmem>>)
    %dma_wait3A_58 = arith.constant 0 : i32
    %dma_wait3A_59 = tpu.memref_slice %arg11[%dma_wait3A_58] : memref<512xi32, #tpu.memory_space<vmem>> -> memref<128xi32, #tpu.memory_space<vmem>>
    %dma_wait3A_60 = arith.constant 0 : i32
    %dma_wait3A_61 = tpu.memref_slice %arg5[%dma_wait3A_60] : memref<100000xf32, #tpu.memory_space<hbm>> -> memref<100000xf32, #tpu.memory_space<hbm>>
    tpu.wait_indirect_dma semaphore(%arg24 : memref<!tpu.dma_semaphore, #tpu.memory_space<semaphore_mem>>) src(%dma_wait3A_61 : memref<100000xf32, #tpu.memory_space<hbm>>) dst(%arg16 : memref<128xf32, #tpu.memory_space<vmem>>)
    %dma_wait3A_62 = arith.constant 0 : i32
    %dma_wait3A_63 = tpu.memref_slice %arg11[%dma_wait3A_62] : memref<512xi32, #tpu.memory_space<vmem>> -> memref<128xi32, #tpu.memory_space<vmem>>
    %dma_wait3A_64 = arith.constant 0 : i32
    %dma_wait3A_65 = tpu.memref_slice %arg6[%dma_wait3A_64] : memref<100000xf32, #tpu.memory_space<hbm>> -> memref<100000xf32, #tpu.memory_space<hbm>>
    tpu.wait_indirect_dma semaphore(%arg24 : memref<!tpu.dma_semaphore, #tpu.memory_space<semaphore_mem>>) src(%dma_wait3A_65 : memref<100000xf32, #tpu.memory_space<hbm>>) dst(%arg20 : memref<128xf32, #tpu.memory_space<vmem>>)
    %add3A_66 = arith.constant 0 : i32
    %add3A_67 = arith.addi %mul3A_2, %add3A_66 : i32
    %dma_start3A_68 = arith.constant 0 : i32
    %dma_start3A_69 = tpu.memref_slice %arg7[%add3A_67, %dma_start3A_68] : memref<16384x128xf32, #tpu.memory_space<hbm>> -> memref<128x128xf32, #tpu.memory_space<hbm>>
    %dma_start3A_70 = arith.constant 0 : i32
    %dma_start3A_71 = tpu.memref_slice %arg7[%add3A_67, %dma_start3A_70] : memref<16384x128xf32, #tpu.memory_space<hbm>> -> memref<128x128xf32, #tpu.memory_space<hbm>>
    tpu.enqueue_dma source(%arg12 : memref<128x128xf32, #tpu.memory_space<vmem>>) target(%dma_start3A_71 : memref<128x128xf32, #tpu.memory_space<hbm>>) target_semaphore(%arg28 : memref<!tpu.dma_semaphore, #tpu.memory_space<semaphore_mem>>)
    %dma_start3A_72 = tpu.memref_slice %arg8[%add3A_67] : memref<16384xf32, #tpu.memory_space<hbm>> -> memref<128xf32, #tpu.memory_space<hbm>>
    %dma_start3A_73 = tpu.memref_slice %arg8[%add3A_67] : memref<16384xf32, #tpu.memory_space<hbm>> -> memref<128xf32, #tpu.memory_space<hbm>>
    tpu.enqueue_dma source(%arg16 : memref<128xf32, #tpu.memory_space<vmem>>) target(%dma_start3A_73 : memref<128xf32, #tpu.memory_space<hbm>>) target_semaphore(%arg28 : memref<!tpu.dma_semaphore, #tpu.memory_space<semaphore_mem>>)
    %dma_start3A_74 = tpu.memref_slice %arg9[%add3A_67] : memref<16384xf32, #tpu.memory_space<hbm>> -> memref<128xf32, #tpu.memory_space<hbm>>
    %dma_start3A_75 = tpu.memref_slice %arg9[%add3A_67] : memref<16384xf32, #tpu.memory_space<hbm>> -> memref<128xf32, #tpu.memory_space<hbm>>
    tpu.enqueue_dma source(%arg20 : memref<128xf32, #tpu.memory_space<vmem>>) target(%dma_start3A_75 : memref<128xf32, #tpu.memory_space<hbm>>) target_semaphore(%arg28 : memref<!tpu.dma_semaphore, #tpu.memory_space<semaphore_mem>>)
    %dma_wait3A_76 = arith.constant 128 : i32
    %dma_wait3A_77 = tpu.memref_slice %arg10[%dma_wait3A_76] : memref<512xi32, #tpu.memory_space<vmem>> -> memref<128xi32, #tpu.memory_space<vmem>>
    %dma_wait3A_78 = arith.constant 0 : i32
    %dma_wait3A_79 = arith.constant 0 : i32
    %dma_wait3A_80 = tpu.memref_slice %arg4[%dma_wait3A_78, %dma_wait3A_79] : memref<1000000x128xf32, #tpu.memory_space<hbm>> -> memref<1000000x128xf32, #tpu.memory_space<hbm>>
    tpu.wait_indirect_dma semaphore(%arg25 : memref<!tpu.dma_semaphore, #tpu.memory_space<semaphore_mem>>) src(%dma_wait3A_80 : memref<1000000x128xf32, #tpu.memory_space<hbm>>) dst(%arg13 : memref<128x128xf32, #tpu.memory_space<vmem>>)
    %dma_wait3A_81 = arith.constant 128 : i32
    %dma_wait3A_82 = tpu.memref_slice %arg11[%dma_wait3A_81] : memref<512xi32, #tpu.memory_space<vmem>> -> memref<128xi32, #tpu.memory_space<vmem>>
    %dma_wait3A_83 = arith.constant 0 : i32
    %dma_wait3A_84 = tpu.memref_slice %arg5[%dma_wait3A_83] : memref<100000xf32, #tpu.memory_space<hbm>> -> memref<100000xf32, #tpu.memory_space<hbm>>
    tpu.wait_indirect_dma semaphore(%arg25 : memref<!tpu.dma_semaphore, #tpu.memory_space<semaphore_mem>>) src(%dma_wait3A_84 : memref<100000xf32, #tpu.memory_space<hbm>>) dst(%arg17 : memref<128xf32, #tpu.memory_space<vmem>>)
    %dma_wait3A_85 = arith.constant 128 : i32
    %dma_wait3A_86 = tpu.memref_slice %arg11[%dma_wait3A_85] : memref<512xi32, #tpu.memory_space<vmem>> -> memref<128xi32, #tpu.memory_space<vmem>>
    %dma_wait3A_87 = arith.constant 0 : i32
    %dma_wait3A_88 = tpu.memref_slice %arg6[%dma_wait3A_87] : memref<100000xf32, #tpu.memory_space<hbm>> -> memref<100000xf32, #tpu.memory_space<hbm>>
    tpu.wait_indirect_dma semaphore(%arg25 : memref<!tpu.dma_semaphore, #tpu.memory_space<semaphore_mem>>) src(%dma_wait3A_88 : memref<100000xf32, #tpu.memory_space<hbm>>) dst(%arg21 : memref<128xf32, #tpu.memory_space<vmem>>)
    %add3A_89 = arith.constant 128 : i32
    %add3A_90 = arith.addi %mul3A_2, %add3A_89 : i32
    %dma_start3A_91 = arith.constant 0 : i32
    %dma_start3A_92 = tpu.memref_slice %arg7[%add3A_90, %dma_start3A_91] : memref<16384x128xf32, #tpu.memory_space<hbm>> -> memref<128x128xf32, #tpu.memory_space<hbm>>
    %dma_start3A_93 = arith.constant 0 : i32
    %dma_start3A_94 = tpu.memref_slice %arg7[%add3A_90, %dma_start3A_93] : memref<16384x128xf32, #tpu.memory_space<hbm>> -> memref<128x128xf32, #tpu.memory_space<hbm>>
    tpu.enqueue_dma source(%arg13 : memref<128x128xf32, #tpu.memory_space<vmem>>) target(%dma_start3A_94 : memref<128x128xf32, #tpu.memory_space<hbm>>) target_semaphore(%arg28 : memref<!tpu.dma_semaphore, #tpu.memory_space<semaphore_mem>>)
    %dma_start3A_95 = tpu.memref_slice %arg8[%add3A_90] : memref<16384xf32, #tpu.memory_space<hbm>> -> memref<128xf32, #tpu.memory_space<hbm>>
    %dma_start3A_96 = tpu.memref_slice %arg8[%add3A_90] : memref<16384xf32, #tpu.memory_space<hbm>> -> memref<128xf32, #tpu.memory_space<hbm>>
    tpu.enqueue_dma source(%arg17 : memref<128xf32, #tpu.memory_space<vmem>>) target(%dma_start3A_96 : memref<128xf32, #tpu.memory_space<hbm>>) target_semaphore(%arg28 : memref<!tpu.dma_semaphore, #tpu.memory_space<semaphore_mem>>)
    %dma_start3A_97 = tpu.memref_slice %arg9[%add3A_90] : memref<16384xf32, #tpu.memory_space<hbm>> -> memref<128xf32, #tpu.memory_space<hbm>>
    %dma_start3A_98 = tpu.memref_slice %arg9[%add3A_90] : memref<16384xf32, #tpu.memory_space<hbm>> -> memref<128xf32, #tpu.memory_space<hbm>>
    tpu.enqueue_dma source(%arg21 : memref<128xf32, #tpu.memory_space<vmem>>) target(%dma_start3A_98 : memref<128xf32, #tpu.memory_space<hbm>>) target_semaphore(%arg28 : memref<!tpu.dma_semaphore, #tpu.memory_space<semaphore_mem>>)
    %dma_wait3A_99 = arith.constant 256 : i32
    %dma_wait3A_100 = tpu.memref_slice %arg10[%dma_wait3A_99] : memref<512xi32, #tpu.memory_space<vmem>> -> memref<128xi32, #tpu.memory_space<vmem>>
    %dma_wait3A_101 = arith.constant 0 : i32
    %dma_wait3A_102 = arith.constant 0 : i32
    %dma_wait3A_103 = tpu.memref_slice %arg4[%dma_wait3A_101, %dma_wait3A_102] : memref<1000000x128xf32, #tpu.memory_space<hbm>> -> memref<1000000x128xf32, #tpu.memory_space<hbm>>
    tpu.wait_indirect_dma semaphore(%arg26 : memref<!tpu.dma_semaphore, #tpu.memory_space<semaphore_mem>>) src(%dma_wait3A_103 : memref<1000000x128xf32, #tpu.memory_space<hbm>>) dst(%arg14 : memref<128x128xf32, #tpu.memory_space<vmem>>)
    %dma_wait3A_104 = arith.constant 256 : i32
    %dma_wait3A_105 = tpu.memref_slice %arg11[%dma_wait3A_104] : memref<512xi32, #tpu.memory_space<vmem>> -> memref<128xi32, #tpu.memory_space<vmem>>
    %dma_wait3A_106 = arith.constant 0 : i32
    %dma_wait3A_107 = tpu.memref_slice %arg5[%dma_wait3A_106] : memref<100000xf32, #tpu.memory_space<hbm>> -> memref<100000xf32, #tpu.memory_space<hbm>>
    tpu.wait_indirect_dma semaphore(%arg26 : memref<!tpu.dma_semaphore, #tpu.memory_space<semaphore_mem>>) src(%dma_wait3A_107 : memref<100000xf32, #tpu.memory_space<hbm>>) dst(%arg18 : memref<128xf32, #tpu.memory_space<vmem>>)
    %dma_wait3A_108 = arith.constant 256 : i32
    %dma_wait3A_109 = tpu.memref_slice %arg11[%dma_wait3A_108] : memref<512xi32, #tpu.memory_space<vmem>> -> memref<128xi32, #tpu.memory_space<vmem>>
    %dma_wait3A_110 = arith.constant 0 : i32
    %dma_wait3A_111 = tpu.memref_slice %arg6[%dma_wait3A_110] : memref<100000xf32, #tpu.memory_space<hbm>> -> memref<100000xf32, #tpu.memory_space<hbm>>
    tpu.wait_indirect_dma semaphore(%arg26 : memref<!tpu.dma_semaphore, #tpu.memory_space<semaphore_mem>>) src(%dma_wait3A_111 : memref<100000xf32, #tpu.memory_space<hbm>>) dst(%arg22 : memref<128xf32, #tpu.memory_space<vmem>>)
    %add3A_112 = arith.constant 256 : i32
    %add3A_113 = arith.addi %mul3A_2, %add3A_112 : i32
    %dma_start3A_114 = arith.constant 0 : i32
    %dma_start3A_115 = tpu.memref_slice %arg7[%add3A_113, %dma_start3A_114] : memref<16384x128xf32, #tpu.memory_space<hbm>> -> memref<128x128xf32, #tpu.memory_space<hbm>>
    %dma_start3A_116 = arith.constant 0 : i32
    %dma_start3A_117 = tpu.memref_slice %arg7[%add3A_113, %dma_start3A_116] : memref<16384x128xf32, #tpu.memory_space<hbm>> -> memref<128x128xf32, #tpu.memory_space<hbm>>
    tpu.enqueue_dma source(%arg14 : memref<128x128xf32, #tpu.memory_space<vmem>>) target(%dma_start3A_117 : memref<128x128xf32, #tpu.memory_space<hbm>>) target_semaphore(%arg28 : memref<!tpu.dma_semaphore, #tpu.memory_space<semaphore_mem>>)
    %dma_start3A_118 = tpu.memref_slice %arg8[%add3A_113] : memref<16384xf32, #tpu.memory_space<hbm>> -> memref<128xf32, #tpu.memory_space<hbm>>
    %dma_start3A_119 = tpu.memref_slice %arg8[%add3A_113] : memref<16384xf32, #tpu.memory_space<hbm>> -> memref<128xf32, #tpu.memory_space<hbm>>
    tpu.enqueue_dma source(%arg18 : memref<128xf32, #tpu.memory_space<vmem>>) target(%dma_start3A_119 : memref<128xf32, #tpu.memory_space<hbm>>) target_semaphore(%arg28 : memref<!tpu.dma_semaphore, #tpu.memory_space<semaphore_mem>>)
    %dma_start3A_120 = tpu.memref_slice %arg9[%add3A_113] : memref<16384xf32, #tpu.memory_space<hbm>> -> memref<128xf32, #tpu.memory_space<hbm>>
    %dma_start3A_121 = tpu.memref_slice %arg9[%add3A_113] : memref<16384xf32, #tpu.memory_space<hbm>> -> memref<128xf32, #tpu.memory_space<hbm>>
    tpu.enqueue_dma source(%arg22 : memref<128xf32, #tpu.memory_space<vmem>>) target(%dma_start3A_121 : memref<128xf32, #tpu.memory_space<hbm>>) target_semaphore(%arg28 : memref<!tpu.dma_semaphore, #tpu.memory_space<semaphore_mem>>)
    %dma_wait3A_122 = arith.constant 384 : i32
    %dma_wait3A_123 = tpu.memref_slice %arg10[%dma_wait3A_122] : memref<512xi32, #tpu.memory_space<vmem>> -> memref<128xi32, #tpu.memory_space<vmem>>
    %dma_wait3A_124 = arith.constant 0 : i32
    %dma_wait3A_125 = arith.constant 0 : i32
    %dma_wait3A_126 = tpu.memref_slice %arg4[%dma_wait3A_124, %dma_wait3A_125] : memref<1000000x128xf32, #tpu.memory_space<hbm>> -> memref<1000000x128xf32, #tpu.memory_space<hbm>>
    tpu.wait_indirect_dma semaphore(%arg27 : memref<!tpu.dma_semaphore, #tpu.memory_space<semaphore_mem>>) src(%dma_wait3A_126 : memref<1000000x128xf32, #tpu.memory_space<hbm>>) dst(%arg15 : memref<128x128xf32, #tpu.memory_space<vmem>>)
    %dma_wait3A_127 = arith.constant 384 : i32
    %dma_wait3A_128 = tpu.memref_slice %arg11[%dma_wait3A_127] : memref<512xi32, #tpu.memory_space<vmem>> -> memref<128xi32, #tpu.memory_space<vmem>>
    %dma_wait3A_129 = arith.constant 0 : i32
    %dma_wait3A_130 = tpu.memref_slice %arg5[%dma_wait3A_129] : memref<100000xf32, #tpu.memory_space<hbm>> -> memref<100000xf32, #tpu.memory_space<hbm>>
    tpu.wait_indirect_dma semaphore(%arg27 : memref<!tpu.dma_semaphore, #tpu.memory_space<semaphore_mem>>) src(%dma_wait3A_130 : memref<100000xf32, #tpu.memory_space<hbm>>) dst(%arg19 : memref<128xf32, #tpu.memory_space<vmem>>)
    %dma_wait3A_131 = arith.constant 384 : i32
    %dma_wait3A_132 = tpu.memref_slice %arg11[%dma_wait3A_131] : memref<512xi32, #tpu.memory_space<vmem>> -> memref<128xi32, #tpu.memory_space<vmem>>
    %dma_wait3A_133 = arith.constant 0 : i32
    %dma_wait3A_134 = tpu.memref_slice %arg6[%dma_wait3A_133] : memref<100000xf32, #tpu.memory_space<hbm>> -> memref<100000xf32, #tpu.memory_space<hbm>>
    tpu.wait_indirect_dma semaphore(%arg27 : memref<!tpu.dma_semaphore, #tpu.memory_space<semaphore_mem>>) src(%dma_wait3A_134 : memref<100000xf32, #tpu.memory_space<hbm>>) dst(%arg23 : memref<128xf32, #tpu.memory_space<vmem>>)
    %add3A_135 = arith.constant 384 : i32
    %add3A_136 = arith.addi %mul3A_2, %add3A_135 : i32
    %dma_start3A_137 = arith.constant 0 : i32
    %dma_start3A_138 = tpu.memref_slice %arg7[%add3A_136, %dma_start3A_137] : memref<16384x128xf32, #tpu.memory_space<hbm>> -> memref<128x128xf32, #tpu.memory_space<hbm>>
    %dma_start3A_139 = arith.constant 0 : i32
    %dma_start3A_140 = tpu.memref_slice %arg7[%add3A_136, %dma_start3A_139] : memref<16384x128xf32, #tpu.memory_space<hbm>> -> memref<128x128xf32, #tpu.memory_space<hbm>>
    tpu.enqueue_dma source(%arg15 : memref<128x128xf32, #tpu.memory_space<vmem>>) target(%dma_start3A_140 : memref<128x128xf32, #tpu.memory_space<hbm>>) target_semaphore(%arg28 : memref<!tpu.dma_semaphore, #tpu.memory_space<semaphore_mem>>)
    %dma_start3A_141 = tpu.memref_slice %arg8[%add3A_136] : memref<16384xf32, #tpu.memory_space<hbm>> -> memref<128xf32, #tpu.memory_space<hbm>>
    %dma_start3A_142 = tpu.memref_slice %arg8[%add3A_136] : memref<16384xf32, #tpu.memory_space<hbm>> -> memref<128xf32, #tpu.memory_space<hbm>>
    tpu.enqueue_dma source(%arg19 : memref<128xf32, #tpu.memory_space<vmem>>) target(%dma_start3A_142 : memref<128xf32, #tpu.memory_space<hbm>>) target_semaphore(%arg28 : memref<!tpu.dma_semaphore, #tpu.memory_space<semaphore_mem>>)
    %dma_start3A_143 = tpu.memref_slice %arg9[%add3A_136] : memref<16384xf32, #tpu.memory_space<hbm>> -> memref<128xf32, #tpu.memory_space<hbm>>
    %dma_start3A_144 = tpu.memref_slice %arg9[%add3A_136] : memref<16384xf32, #tpu.memory_space<hbm>> -> memref<128xf32, #tpu.memory_space<hbm>>
    tpu.enqueue_dma source(%arg23 : memref<128xf32, #tpu.memory_space<vmem>>) target(%dma_start3A_144 : memref<128xf32, #tpu.memory_space<hbm>>) target_semaphore(%arg28 : memref<!tpu.dma_semaphore, #tpu.memory_space<semaphore_mem>>)
    %dma_wait3A_145 = arith.constant 0 : i32
    %dma_wait3A_146 = tpu.memref_slice %arg7[%add3A_67, %dma_wait3A_145] : memref<16384x128xf32, #tpu.memory_space<hbm>> -> memref<128x128xf32, #tpu.memory_space<hbm>>
    %dma_wait3A_147 = arith.constant 0 : i32
    %dma_wait3A_148 = tpu.memref_slice %arg7[%add3A_67, %dma_wait3A_147] : memref<16384x128xf32, #tpu.memory_space<hbm>> -> memref<128x128xf32, #tpu.memory_space<hbm>>
    tpu.wait_dma2 semaphore(%arg28 : memref<!tpu.dma_semaphore, #tpu.memory_space<semaphore_mem>>) src(%arg12 : memref<128x128xf32, #tpu.memory_space<vmem>>) dst(%dma_wait3A_148 : memref<128x128xf32, #tpu.memory_space<hbm>>)
    %dma_wait3A_149 = tpu.memref_slice %arg8[%add3A_67] : memref<16384xf32, #tpu.memory_space<hbm>> -> memref<128xf32, #tpu.memory_space<hbm>>
    %dma_wait3A_150 = tpu.memref_slice %arg8[%add3A_67] : memref<16384xf32, #tpu.memory_space<hbm>> -> memref<128xf32, #tpu.memory_space<hbm>>
    tpu.wait_dma2 semaphore(%arg28 : memref<!tpu.dma_semaphore, #tpu.memory_space<semaphore_mem>>) src(%arg16 : memref<128xf32, #tpu.memory_space<vmem>>) dst(%dma_wait3A_150 : memref<128xf32, #tpu.memory_space<hbm>>)
    %dma_wait3A_151 = tpu.memref_slice %arg9[%add3A_67] : memref<16384xf32, #tpu.memory_space<hbm>> -> memref<128xf32, #tpu.memory_space<hbm>>
    %dma_wait3A_152 = tpu.memref_slice %arg9[%add3A_67] : memref<16384xf32, #tpu.memory_space<hbm>> -> memref<128xf32, #tpu.memory_space<hbm>>
    tpu.wait_dma2 semaphore(%arg28 : memref<!tpu.dma_semaphore, #tpu.memory_space<semaphore_mem>>) src(%arg20 : memref<128xf32, #tpu.memory_space<vmem>>) dst(%dma_wait3A_152 : memref<128xf32, #tpu.memory_space<hbm>>)
    %dma_wait3A_153 = arith.constant 0 : i32
    %dma_wait3A_154 = tpu.memref_slice %arg7[%add3A_90, %dma_wait3A_153] : memref<16384x128xf32, #tpu.memory_space<hbm>> -> memref<128x128xf32, #tpu.memory_space<hbm>>
    %dma_wait3A_155 = arith.constant 0 : i32
    %dma_wait3A_156 = tpu.memref_slice %arg7[%add3A_90, %dma_wait3A_155] : memref<16384x128xf32, #tpu.memory_space<hbm>> -> memref<128x128xf32, #tpu.memory_space<hbm>>
    tpu.wait_dma2 semaphore(%arg28 : memref<!tpu.dma_semaphore, #tpu.memory_space<semaphore_mem>>) src(%arg13 : memref<128x128xf32, #tpu.memory_space<vmem>>) dst(%dma_wait3A_156 : memref<128x128xf32, #tpu.memory_space<hbm>>)
    %dma_wait3A_157 = tpu.memref_slice %arg8[%add3A_90] : memref<16384xf32, #tpu.memory_space<hbm>> -> memref<128xf32, #tpu.memory_space<hbm>>
    %dma_wait3A_158 = tpu.memref_slice %arg8[%add3A_90] : memref<16384xf32, #tpu.memory_space<hbm>> -> memref<128xf32, #tpu.memory_space<hbm>>
    tpu.wait_dma2 semaphore(%arg28 : memref<!tpu.dma_semaphore, #tpu.memory_space<semaphore_mem>>) src(%arg17 : memref<128xf32, #tpu.memory_space<vmem>>) dst(%dma_wait3A_158 : memref<128xf32, #tpu.memory_space<hbm>>)
    %dma_wait3A_159 = tpu.memref_slice %arg9[%add3A_90] : memref<16384xf32, #tpu.memory_space<hbm>> -> memref<128xf32, #tpu.memory_space<hbm>>
    %dma_wait3A_160 = tpu.memref_slice %arg9[%add3A_90] : memref<16384xf32, #tpu.memory_space<hbm>> -> memref<128xf32, #tpu.memory_space<hbm>>
    tpu.wait_dma2 semaphore(%arg28 : memref<!tpu.dma_semaphore, #tpu.memory_space<semaphore_mem>>) src(%arg21 : memref<128xf32, #tpu.memory_space<vmem>>) dst(%dma_wait3A_160 : memref<128xf32, #tpu.memory_space<hbm>>)
    %dma_wait3A_161 = arith.constant 0 : i32
    %dma_wait3A_162 = tpu.memref_slice %arg7[%add3A_113, %dma_wait3A_161] : memref<16384x128xf32, #tpu.memory_space<hbm>> -> memref<128x128xf32, #tpu.memory_space<hbm>>
    %dma_wait3A_163 = arith.constant 0 : i32
    %dma_wait3A_164 = tpu.memref_slice %arg7[%add3A_113, %dma_wait3A_163] : memref<16384x128xf32, #tpu.memory_space<hbm>> -> memref<128x128xf32, #tpu.memory_space<hbm>>
    tpu.wait_dma2 semaphore(%arg28 : memref<!tpu.dma_semaphore, #tpu.memory_space<semaphore_mem>>) src(%arg14 : memref<128x128xf32, #tpu.memory_space<vmem>>) dst(%dma_wait3A_164 : memref<128x128xf32, #tpu.memory_space<hbm>>)
    %dma_wait3A_165 = tpu.memref_slice %arg8[%add3A_113] : memref<16384xf32, #tpu.memory_space<hbm>> -> memref<128xf32, #tpu.memory_space<hbm>>
    %dma_wait3A_166 = tpu.memref_slice %arg8[%add3A_113] : memref<16384xf32, #tpu.memory_space<hbm>> -> memref<128xf32, #tpu.memory_space<hbm>>
    tpu.wait_dma2 semaphore(%arg28 : memref<!tpu.dma_semaphore, #tpu.memory_space<semaphore_mem>>) src(%arg18 : memref<128xf32, #tpu.memory_space<vmem>>) dst(%dma_wait3A_166 : memref<128xf32, #tpu.memory_space<hbm>>)
    %dma_wait3A_167 = tpu.memref_slice %arg9[%add3A_113] : memref<16384xf32, #tpu.memory_space<hbm>> -> memref<128xf32, #tpu.memory_space<hbm>>
    %dma_wait3A_168 = tpu.memref_slice %arg9[%add3A_113] : memref<16384xf32, #tpu.memory_space<hbm>> -> memref<128xf32, #tpu.memory_space<hbm>>
    tpu.wait_dma2 semaphore(%arg28 : memref<!tpu.dma_semaphore, #tpu.memory_space<semaphore_mem>>) src(%arg22 : memref<128xf32, #tpu.memory_space<vmem>>) dst(%dma_wait3A_168 : memref<128xf32, #tpu.memory_space<hbm>>)
    %dma_wait3A_169 = arith.constant 0 : i32
    %dma_wait3A_170 = tpu.memref_slice %arg7[%add3A_136, %dma_wait3A_169] : memref<16384x128xf32, #tpu.memory_space<hbm>> -> memref<128x128xf32, #tpu.memory_space<hbm>>
    %dma_wait3A_171 = arith.constant 0 : i32
    %dma_wait3A_172 = tpu.memref_slice %arg7[%add3A_136, %dma_wait3A_171] : memref<16384x128xf32, #tpu.memory_space<hbm>> -> memref<128x128xf32, #tpu.memory_space<hbm>>
    tpu.wait_dma2 semaphore(%arg28 : memref<!tpu.dma_semaphore, #tpu.memory_space<semaphore_mem>>) src(%arg15 : memref<128x128xf32, #tpu.memory_space<vmem>>) dst(%dma_wait3A_172 : memref<128x128xf32, #tpu.memory_space<hbm>>)
    %dma_wait3A_173 = tpu.memref_slice %arg8[%add3A_136] : memref<16384xf32, #tpu.memory_space<hbm>> -> memref<128xf32, #tpu.memory_space<hbm>>
    %dma_wait3A_174 = tpu.memref_slice %arg8[%add3A_136] : memref<16384xf32, #tpu.memory_space<hbm>> -> memref<128xf32, #tpu.memory_space<hbm>>
    tpu.wait_dma2 semaphore(%arg28 : memref<!tpu.dma_semaphore, #tpu.memory_space<semaphore_mem>>) src(%arg19 : memref<128xf32, #tpu.memory_space<vmem>>) dst(%dma_wait3A_174 : memref<128xf32, #tpu.memory_space<hbm>>)
    %dma_wait3A_175 = tpu.memref_slice %arg9[%add3A_136] : memref<16384xf32, #tpu.memory_space<hbm>> -> memref<128xf32, #tpu.memory_space<hbm>>
    %dma_wait3A_176 = tpu.memref_slice %arg9[%add3A_136] : memref<16384xf32, #tpu.memory_space<hbm>> -> memref<128xf32, #tpu.memory_space<hbm>>
    tpu.wait_dma2 semaphore(%arg28 : memref<!tpu.dma_semaphore, #tpu.memory_space<semaphore_mem>>) src(%arg23 : memref<128xf32, #tpu.memory_space<vmem>>) dst(%dma_wait3A_176 : memref<128xf32, #tpu.memory_space<hbm>>)
    return
  }
}

</mosaic_0001>

<sc_bundles>
// kernel: dina_sc_gather.3.cloned.1.call-start
scs
__scs_entry_jumppad:
0x0: {  	(pc) =	sbr.rel $0x88, $3  }
0x1: {  	(tag) =	ssettag $0x0;
	lr =	simm.s32 $0x1  }
0x2: {  	[smem:$0x3F9C] =	sst lr;
	_ =	strace $0xD0000000  }
0x3: {  	_ = 	snop  }
0x4: {  	_ = 	snop  }
0x5: {  	_ = 	snop  }
0x6: {  	_ = 	snop  }
0x7: {  	_ = 	snop  }
__scs_overlays_trampoline_lowered:
0x8: {  	[smem:$0x3FAB] =	sst s0  }
0x9: {  	[smem:$0x3FAC] =	sst s1  }
0xa: {  	[smem:$0x3FAD] =	sst s2  }
0xb: {  	[smem:$0x3FAE] =	sst s3  }
0xc: {  	[smem:$0x3FAF] =	sst s4  }
0xd: {  	[smem:$0x3FB0] =	sst s5  }
0xe: {  	[smem:$0x3FB1] =	sst s6  }
0xf: {  	[smem:$0x3FB2] =	sst s7  }
0x10: {  	[smem:$0x3FB3] =	sst s8  }
0x11: {  	[smem:$0x3FB4] =	sst s9;
	s0 =	simm.s32 @!p0 $0x0  }
0x12: {  	s1 =	sld [smem:$0x3F9A];
	s0 =	simm.s32 @p0 $0x1  }
0x13: {  	[smem:$0x3FB5] =	sst s0;
	s0 =	simm.s32 @!p1 $0x0  }
0x14: {  	s2 =	sld [smem:$0x3F99];
	s0 =	simm.s32 @p1 $0x1  }
0x15: {  	[smem:$0x3FB6] =	sst s0;
	s0 =	simm.s32 @!p2 $0x0  }
0x16: {  	s3 =	sld [smem:$0x3FDB];
	s0 =	simm.s32 @p2 $0x1  }
0x17: {  	s4 =	simm.s32 $0x1BF5;
	[smem:$0x3FB8] =	sst s0  }
0x18: {  	s0 =	sld [smem:$0x3F9B];
	_ =	swait.ge [sflag:s4], $0x0  }
0x19: {  	s7 =	sld [smem:$0x3F9C]  }
0x1a: {  	s8 =	sadd.s32 $0xFFFFE003, lr  }
0x1b: {  	s9 =	sadd.s32 $0xFFFFFEF7, lr;
	s5 =	simm.s32 $0xFFFFFFFF;
	p2 =	slt.u32 s8, $0xFFFFF086  }
0x1c: {  	p1 =	slt.u32 s9, $0xF7A;
	s5 =	simm.s32 @!p2 $0x0  }
0x1d: {  	s5 =	simm.s32 @p1 $0x1;
	p0 =	seq.s32 s7, s2  }
0x1e: {  	s7 =	smul.u32 @!p0 $0xF7A, s2;
	p2 =	seq.s32 @!p0 s5, $0x0  }
0x1f: {  	s9 =	smul.u32 $0xF7A, s1;
	s8 =	simm.s32 @!p0 $0x1BF5;
	p2 =	por !p2, p0  }
0x20: {  	[sflag:s8] =	ssyncset.s32 @!p0 $0xFFFFF086;
	s6 =	sadd.s32 @!p0 s3, s7;
	s7 =	simm.s32 @!p0 $0x108  }
0x21: {  	s3 =	sadd.s32 s3, s9;
	s6 =	sadd.s32 @!p0 $0x88, s6;
	s7 =	simm.s32 @p2 $0x1082  }
0x22: {  	[simem:s7], [sflag:s8] =	dma.local @!p0 [hbm:s6], $0xF7A  }
0x23: {  	s9 =	sor.u32 $0xD0000000, s2;
	s6 =	simm.s32 $0x108;
	_ =	swait.ge @!p0 [sflag:s8], $0x0  }
0x24: {  	s3 =	sadd.s32 $0x88, s3;
	s6 =	simm.s32 @!p1 $0x1082;
	[sflag:s4] =	ssyncset.s32 $0xFFFFF086  }
0x25: {  	[simem:s6], [sflag:s4] =	dma.local [hbm:s3], $0xF7A  }
0x26: {  	[smem:$0x3F9C] =	sst s1;
	(tag) =	ssettag s2;
	_ =	strace s9  }
0x27: {  	s1 =	sld [smem:$0x3FAC]  }
0x28: {  	s2 =	sld [smem:$0x3FAD]  }
0x29: {  	s4 =	sld [smem:$0x3FAF]  }
0x2a: {  	p0 =	seq.s32 s5, $0x0;
	s5 =	sld [smem:$0x3FB0]  }
0x2b: {  	s6 =	sld [smem:$0x3FB1]  }
0x2c: {  	s7 =	sld [smem:$0x3FB2]  }
0x2d: {  	s3 =	simm.s32 $0x108;
	s8 =	sld [smem:$0x3FB3]  }
0x2e: {  	s3 =	simm.s32 @!p0 $0x1082;
	s9 =	sld [smem:$0x3FB4]  }
0x2f: {  	lr =	sadd.s32 s0, s3;
	s0 =	sld [smem:$0x3FAB]  }
0x30: {  	s3 =	sld [smem:$0x3FAE]  }
0x31: {  	[smem:$0x3FB7] =	sst s10  }
0x32: {  	s10 =	sld [smem:$0x3FB5];
	_ =	sdelay $0x3  }
0x33: {  	p0 =	seq.s32 s10, $0x1;
	s10 =	sld [smem:$0x3FB7];
	_ =	sdelay $0x3  }
0x34: {  	[smem:$0x3FB7] =	sst s10  }
0x35: {  	s10 =	sld [smem:$0x3FB6];
	_ =	sdelay $0x3  }
0x36: {  	p1 =	seq.s32 s10, $0x1;
	s10 =	sld [smem:$0x3FB7];
	_ =	sdelay $0x3  }
0x37: {  	[smem:$0x3FB7] =	sst s10  }
0x38: {  	s10 =	sld [smem:$0x3FB8]  }
0x39: {  	_ = 	snop;
	(pc) =	sbr.ind lr, $3  }
0x3a: {  	_ = 	snop  }
0x3b: {  	_ = 	snop  }
0x3c: {  	p2 =	seq.s32 s10, $0x1;
	s10 =	sld [smem:$0x3FB7]  }
0x3d: {  	_ =	shalt  }
0x3e: {  	_ =	shalt  }
0x3f: {  	_ =	shalt  }
0x40: {  	_ =	shalt  }
0x41: {  	_ =	shalt  }
0x42: {  	_ =	shalt  }
0x43: {  	_ =	shalt  }
0x44: {  	_ =	shalt  }
0x45: {  	_ =	shalt  }
0x46: {  	_ =	shalt  }
0x47: {  	_ =	shalt  }
0x48: {  	_ =	shalt  }
0x49: {  	_ =	shalt  }
0x4a: {  	_ =	shalt  }
0x4b: {  	_ =	shalt  }
0x4c: {  	_ =	shalt  }
0x4d: {  	_ =	shalt  }
0x4e: {  	_ =	shalt  }
0x4f: {  	_ =	shalt  }
0x50: {  	_ =	shalt  }
0x51: {  	_ =	shalt  }
0x52: {  	_ =	shalt  }
0x53: {  	_ =	shalt  }
0x54: {  	_ =	shalt  }
0x55: {  	_ =	shalt  }
0x56: {  	_ =	shalt  }
0x57: {  	_ =	shalt  }
0x58: {  	_ =	shalt  }
0x59: {  	_ =	shalt  }
0x5a: {  	_ =	shalt  }
0x5b: {  	_ =	shalt  }
0x5c: {  	_ =	shalt  }
0x5d: {  	_ =	shalt  }
0x5e: {  	_ =	shalt  }
0x5f: {  	_ =	shalt  }
0x60: {  	_ =	shalt  }
0x61: {  	_ =	shalt  }
0x62: {  	_ =	shalt  }
0x63: {  	_ =	shalt  }
0x64: {  	_ =	shalt  }
0x65: {  	_ =	shalt  }
0x66: {  	_ =	shalt  }
0x67: {  	_ =	shalt  }
0x68: {  	_ =	shalt  }
0x69: {  	_ =	shalt  }
0x6a: {  	_ =	shalt  }
0x6b: {  	_ =	shalt  }
0x6c: {  	_ =	shalt  }
0x6d: {  	_ =	shalt  }
0x6e: {  	_ =	shalt  }
0x6f: {  	_ =	shalt  }
0x70: {  	_ =	shalt  }
0x71: {  	_ =	shalt  }
0x72: {  	_ =	shalt  }
0x73: {  	_ =	shalt  }
0x74: {  	_ =	shalt  }
0x75: {  	_ =	shalt  }
0x76: {  	_ =	shalt  }
0x77: {  	_ =	shalt  }
0x78: {  	_ =	shalt  }
0x79: {  	_ =	shalt  }
0x7a: {  	_ =	shalt  }
0x7b: {  	_ =	shalt  }
0x7c: {  	_ =	shalt  }
0x7d: {  	_ =	shalt  }
0x7e: {  	_ =	shalt  }
0x7f: {  	_ =	shalt  }
0x80: {  	_ =	shalt  }
0x81: {  	_ =	shalt  }
0x82: {  	_ =	shalt  }
0x83: {  	_ =	shalt  }
0x84: {  	_ =	shalt  }
0x85: {  	_ =	shalt  }
0x86: {  	_ =	shalt  }
0x87: {  	_ =	shalt  }
.Lfunc_end0:
.L_simem_size_0:
called_computation_lowered:
.L_overlay_start_0:
0x88: {  	s2 =	sld [smem:$0x3FD9]  }
0x89: {  	s3 =	sld [smem:$0x3FFE];
	_ =	sdelay $0x1  }
0x8a: {  	s1 =	srdreg.scid  }
0x8b: {  	s0 =	sand.u32 $0x1, s1  }
0x8c: {  	s15 =	sshll.u32 s0, $0xA;
	s2 =	sadd.s32 s3, s2  }
0x8d: {  	s2 =	sadd.s32 s2, s15  }
0x8e: {  	[smem:$0x3FC3] =	sst s2  }
0x8f: {  	_ = 	snop  }
0x90: {  	s2 =	sld [smem:$0x3FC9]  }
0x91: {  	s16 =	sld [smem:$0x3FC8]  }
0x92: {  	s4 =	sld [smem:$0x3FD0]  }
0x93: {  	s5 =	sld [smem:$0x3FC7]  }
0x94: {  	s6 =	sld [smem:$0x3FC6]  }
0x95: {  	s8 =	simm.s32 $0xA;
	s9 =	simm.s32 $0x10;
	s7 =	sld [smem:$0x3FC5]  }
0x96: {  	[smem:s9], [sflag:s8] =	dma.local [hbm:s4], $0x1  }
0x97: {  	_ =	swait.eq [sflag:s8], $0x1  }
0x98: {  	s17 =	sld [smem:$0x10];
	[sflag:s8] =	ssyncset.done $0x0  }
0x99: {  	s18 =	sld [smem:$0x11];
	[sflag:s8] =	ssyncadd.s32 $0xFFFFFFFF  }
0x9a: {  	s19 =	sld [smem:$0x12];
	(tm) =	ssettm $0x1  }
0x9b: {  	s10 =	sld [smem:$0x3FFB];
	_ =	sdelay $0x3  }
0x9c: {  	_ =	strace s10  }
0x9d: {  	s10 =	sld [smem:$0x3FFC];
	_ =	sdelay $0x3  }
0x9e: {  	_ =	strace s10  }
0x9f: {  	s10 =	sld [smem:$0x3FFD];
	_ =	sdelay $0x3  }
0xa0: {  	_ =	strace s10  }
0xa1: {  	_ =	strace $0x8FFFFFFF  }
0xa2: {  	s20 =	sld [smem:$0x3FDB];
	_ =	sdelay $0x1  }
0xa3: {  	s11 =	simm.s32 $_scs_section_size  }
0xa4: {  	s12 =	simm.s32 $_size__tile_overlayer_lowered;
	s13 =	simm.s32 $_tile_overlayer_lowered  }
0xa5: {  	s23 =	simm.s32 $0x1BFF;
	s22 =	sshll.u32 s13, $0x1;
	s10 =	sadd.s32 s11, s20  }
0xa6: {  	s14 =	simm.s32 $0x0;
	s21 =	sshll.u32 s12, $0x1;
	s12 =	sadd.s32 s22, s10  }
0xa7: {  	[timem:s14], [sflag:s23] =	dma.local [hbm:s12], s21  }
0xa8: {  	_ =	swait.ge [sflag:s23], s21  }
0xa9: {  	s11 =	ssub.s32 $0x0, s21;
	[sflag:s23] =	ssyncset.done $0x0  }
0xaa: {  	[sflag:s23] =	ssyncadd.s32 s11;
	_ =	sdelay $0x1  }
0xab: {  	s24 =	simm.s32 $0x1B8B  }
0xac: {  	_ =	swait.ge [sflag:s24], $0x1  }
0xad: {  	[sflag:s24] =	ssyncset.done $0x0  }
0xae: {  	s25 =	simm.s32 $0x1B8E;
	[sflag:s24] =	ssyncadd.s32 $0xFFFFFFFF  }
0xaf: {  	s26 =	simm.s32 $execute0_lowered;
	[smem:$0x3FD2] =	sst s25  }
0xb0: {  	s11 =	sshll.u32 s26, $0x1;
	_ =	strace $0x80000046;
	[dreg:$0x1] =	wrdreg $0xFFFFFFFF  }
0xb1: {  	s28 =	simm.s32 $_size_execute0_lowered;
	s10 =	sadd.s32 s10, s11;
	[dreg:$0x0] =	wrdreg $0x0  }
0xb2: {  	s11 =	sshll.u32 s28, $0x1;
	[dreg:$0x2] =	wrdreg s10  }
0xb3: {  	[dreg:$0x3] =	wrdreg s11  }
0xb4: {  	[dreg:$0x4] =	wrdreg $0xC0  }
0xb5: {  	_ =	task [dreg:s14], $0x5FFFF  }
0xb6: {  	[dreg:$0x1] =	wrdreg $0xFFFFFFFF  }
0xb7: {  	[dreg:$0x0] =	wrdreg $0x60  }
0xb8: {  	[dreg:$0x2] =	wrdreg s2  }
0xb9: {  	[dreg:$0x3] =	wrdreg s16  }
0xba: {  	[dreg:$0x4] =	wrdreg s5  }
0xbb: {  	[dreg:$0x5] =	wrdreg s6  }
0xbc: {  	[dreg:$0x6] =	wrdreg s7  }
0xbd: {  	[dreg:$0x7] =	wrdreg s17  }
0xbe: {  	[dreg:$0x8] =	wrdreg s18  }
0xbf: {  	[dreg:$0x9] =	wrdreg s19  }
0xc0: {  	[dreg:$0xa] =	wrdreg $0x9  }
0xc1: {  	_ =	task.clear_ibuf [dreg:s14], $0xBFFFF;
	_ =	strace $0x90000046  }
0xc2: {  	s29 =	simm.s32 $0x9;
	_ =	strace $0x80000048  }
0xc3: {  	_ =	swait.ge [sflag:s29], $0x1  }
0xc4: {  	[sflag:s29] =	ssyncadd.s32 $0xFFFFFFFF  }
0xc5: {  	_ =	strace $0x90000048  }
0xc6: {  	_ =	sfence  }
0xc7: {  	s30 =	sld [smem:$0x0];
	_ =	sdelay $0x2  }
0xc8: {  	s31 =	sshll.u32 s1, $0xD;
	s1 =	sshrl.u32 s1, $0x2  }
0xc9: {  	s3 =	sand.u32 $0x4000, s31;
	s1 =	sadd.s32 s1, s30  }
0xca: {  	s0 =	sor.u32 s3, s0;
	s1 =	sshll.u32 s1, $0x11  }
0xcb: {  	s0 =	sor.u32 s1, s0  }
0xcc: {  	s0 =	sadd.s32 $0x8F2B, s0  }
0xcd: {  	[sflag:s0] =	ssyncadd.remote.s32 $0x1  }
0xce: {  	_ =	sfence.sel $0xFFFF  }
0xcf: {  	[dreg:$0x0] =	wrdreg $0xFFFFFFFF;
	(pc) =	sbr.abs _section_cstart, $3  }
0xd0: {  	[dreg:$0x1] =	wrdreg $0xFFFFFFFF  }
0xd1: {  	_ =	task.clear_ibuf [dreg:s14], $0x2FFFF;
	_ =	strace $0x9FFFFFFF  }
0xd2: {  	(tm) =	ssettm $0x7FFFFFFF  }
0xd3: {  	_ =	shalt  }
tec
execute0_lowered:
.L_overlay_start_1:
0x0: {  	(tag) =	ssettag $0x1  }
0x1: {  	s0 =	rddreg [dreg:$0x0]  }
0x2: {  	s1 =	rddreg [dreg:$0x1]  }
0x3: {  	s4 =	rddreg [dreg:$0x2]  }
0x4: {  	s5 =	rddreg [dreg:$0x3]  }
0x5: {  	s6 =	rddreg [dreg:$0x4]  }
0x6: {  	s3 =	rddreg [dreg:$0x5]  }
0x7: {  	s2 =	srdreg.scid;
	s7 =	rddreg [dreg:$0x6]  }
0x8: {  	s28 =	stileid.u32;
	s9 =	rddreg [dreg:$0x7]  }
0x9: {  	s29 =	simm.s32 $0x300;
	s30 =	simm.s32 $0x180;
	s8 =	sand.u32 $0x1, s2  }
0xa: {  	s10 =	sshll.u32 s28, $0xA;
	s2 =	simm.s32 $0x0;
	s11 =	sshll.u32 s8, $0x9  }
0xb: {  	s31 =	simm.s32 $0x380;
	[smem:$0x7FF] =	sst s2;
	s10 =	sor.u32 s11, s10  }
0xc: {  	p0 =	por $0x0, $0x0;
	_ =	strace $0x80000047;
	s11 =	sshrl.u32 s10, $0x3  }
0xd: {  	s18 =	sshll.u32 s10, $0x4;
	s21 =	sor.u32 $0x80, s10;
	s26 =	sor.u32 $0x100, s10  }
0xe: {  	s10 =	sor.u32 $0x180, s10;
	s0 =	sadd.s32 s0, s11;
	s17 =	sadd.s32 s1, s11  }
0xf: {  	s19 =	sadd.s32 s3, s18;
	s20 =	sadd.s32 s7, s11;
	s22 =	sadd.s32 s9, s11  }
0x10: {  	s23 =	sshll.u32 s21, $0x4;
	s1 =	sshrl.u32 s21, $0x3;
	[dreg:$0x9] =	wrdreg s0  }
0x11: {  	s13 =	sshll.u32 s26, $0x4;
	s15 =	sshrl.u32 s26, $0x3;
	[dreg:$0xa] =	wrdreg s17  }
0x12: {  	s18 =	sshll.u32 s10, $0x4;
	s21 =	ssub.s32 $0x2, s8;
	[dreg:$0xb] =	wrdreg s19  }
0x13: {  	s11 =	simm.s32 $0x10500;
	s8 =	simm.s32 $0x10580;
	[dreg:$0xc] =	wrdreg s20  }
0x14: {  	[dreg:$0xd] =	wrdreg s22;
	s24 =	sadd.s32 s3, s23;
	s25 =	sadd.s32 s7, s1  }
0x15: {  	s12 =	sadd.s32 s9, s1;
	s14 =	sadd.s32 s3, s13;
	[dreg:$0xe] =	wrdreg s24  }
0x16: {  	s16 =	sadd.s32 s7, s15;
	s17 =	sadd.s32 s9, s15;
	[dreg:$0xf] =	wrdreg s25  }
0x17: {  	s19 =	sadd.s32 s3, s18;
	s20 =	sshrl.u32 s10, $0x3;
	[dreg:$0x10] =	wrdreg s12  }
0x18: {  	s23 =	sshrl.u32 s21, $0x1;
	s18 =	simm.s32 $0x10400;
	[dreg:$0x11] =	wrdreg s14  }
0x19: {  	s15 =	simm.s32 $0x10480;
	s1 =	simm.s32 $0x100;
	[dreg:$0x12] =	wrdreg s16  }
0x1a: {  	s10 =	simm.s32 $0x8400;
	s13 =	simm.s32 $0x4;
	[dreg:$0x13] =	wrdreg s17  }
0x1b: {  	s3 =	simm.s32 $0x5;
	[dreg:$0x14] =	wrdreg s19;
	s22 =	sadd.s32 s7, s20  }
0x1c: {  	s24 =	sadd.s32 s9, s20;
	s25 =	ssub.s32 s21, s23;
	s23 =	simm.s32 $0x200  }
0x1d: {  	s20 =	simm.s32 $0x400;
	s19 =	simm.s32 $0x10600;
	s26 =	smax.u32 s25, $0x1  }
0x1e: {  	s14 =	simm.s32 $0x4400;
	s16 =	simm.s32 $0x10680;
	p1 =	sne.s32 s26, $0x1  }
.Ltmp0:
0x1f: {  	s12 =	simm.s32 $0x10700;
	s7 =	simm.s32 $0xC400;
	(pc) =	sbr.rel @!p1 .LBB2_5-.Ltmp0, $4  }
0x20: {  	s9 =	simm.s32 $0x10780;
	s21 =	simm.s32 $0x2;
	[dreg:$0x15] =	wrdreg s22  }
0x21: {  	s17 =	simm.s32 $0x3;
	[dreg:$0x16] =	wrdreg s24;
	s0 =	sadd.s32 $0xFFFFFFFF, s26  }
0x22: {  	s24 =	simm.s32 $0x6;
	s22 =	simm.s32 $0x80;
	[dreg:$0x17] =	wrdreg s0  }
0x23: {  	s25 =	simm.s32 $0x280;
	s26 =	simm.s32 $0x1;
	s0 =	rddreg [dreg:$0x9]  }
0x24: {  	[tilespmem:s2], [sflag:$0x6] =	stream.linear.gather [hbm4b:s0+s2], $0x200, $0x38;
	[tilespmem:$0x10800] =	vst v63  }
0x25: {  	_ =	swait.ge [sflag:s24], $0x200  }
0x26: {  	[sflag:s24] =	ssyncset.done $0x0  }
0x27: {  	s28 =	rddreg [dreg:$0xa];
	[sflag:s24] =	ssyncadd.s32 $0xFFFFFE00  }
0x28: {  	[tilespmem:s23], [sflag:$0x6] =	stream.linear.gather [hbm4b:s28+s2], $0x200, $0x38;
	[tilespmem:$0x10800] =	vst v63  }
0x29: {  	_ =	swait.ge [sflag:s24], $0x200  }
0x2a: {  	[sflag:s24] =	ssyncset.done $0x0  }
0x2b: {  	[sflag:s24] =	ssyncadd.s32 $0xFFFFFE00  }
0x2c: {  	[tilespmem:s20], [sflag:$0x1] =	stream.indirect.gather [hbm4b:s4+s22], $0x80, s2, s22, $0xb8;
	[tilespmem:$0x10800] =	vst v63  }
0x2d: {  	_ = 	snop  }
0x2e: {  	[tilespmem:s18], [sflag:$0x1] =	stream.indirect.gather [hbm4b:s5+s22], $0x1, s23, s22, $0xb8;
	[tilespmem:$0x10800] =	vst v63  }
0x2f: {  	_ = 	snop  }
0x30: {  	[tilespmem:s19], [sflag:$0x1] =	stream.indirect.gather [hbm4b:s6+s22], $0x1, s23, s22, $0xb8;
	[tilespmem:$0x10800] =	vst v63  }
0x31: {  	_ = 	snop  }
0x32: {  	[tilespmem:s14], [sflag:$0x2] =	stream.indirect.gather [hbm4b:s4+s22], $0x80, s22, s22, $0xb8;
	[tilespmem:$0x10800] =	vst v63  }
0x33: {  	_ = 	snop  }
0x34: {  	[tilespmem:s15], [sflag:$0x2] =	stream.indirect.gather [hbm4b:s5+s22], $0x1, s25, s22, $0xb8;
	[tilespmem:$0x10800] =	vst v63  }
0x35: {  	_ = 	snop  }
0x36: {  	[tilespmem:s16], [sflag:$0x2] =	stream.indirect.gather [hbm4b:s6+s22], $0x1, s25, s22, $0xb8;
	[tilespmem:$0x10800] =	vst v63  }
0x37: {  	_ = 	snop  }
0x38: {  	[tilespmem:s10], [sflag:$0x3] =	stream.indirect.gather [hbm4b:s4+s22], $0x80, s1, s22, $0xb8;
	[tilespmem:$0x10800] =	vst v63  }
0x39: {  	_ = 	snop  }
0x3a: {  	[tilespmem:s11], [sflag:$0x3] =	stream.indirect.gather [hbm4b:s5+s22], $0x1, s29, s22, $0xb8;
	[tilespmem:$0x10800] =	vst v63  }
0x3b: {  	_ = 	snop  }
0x3c: {  	[tilespmem:s12], [sflag:$0x3] =	stream.indirect.gather [hbm4b:s6+s22], $0x1, s29, s22, $0xb8;
	[tilespmem:$0x10800] =	vst v63  }
0x3d: {  	_ = 	snop  }
0x3e: {  	[tilespmem:s7], [sflag:$0x4] =	stream.indirect.gather [hbm4b:s4+s22], $0x80, s30, s22, $0xb8;
	[tilespmem:$0x10800] =	vst v63  }
0x3f: {  	_ = 	snop  }
0x40: {  	[tilespmem:s8], [sflag:$0x4] =	stream.indirect.gather [hbm4b:s5+s22], $0x1, s31, s22, $0xb8;
	[tilespmem:$0x10800] =	vst v63  }
0x41: {  	_ = 	snop  }
0x42: {  	[tilespmem:s9], [sflag:$0x4] =	stream.indirect.gather [hbm4b:s6+s22], $0x1, s31, s22, $0xb8;
	[tilespmem:$0x10800] =	vst v63  }
0x43: {  	_ =	swait.ge [sflag:s26], $0x4000  }
0x44: {  	[sflag:s26] =	ssyncset.done $0x0  }
0x45: {  	[sflag:s26] =	ssyncadd.s32 $0xFFFFC000  }
0x46: {  	_ =	swait.ge [sflag:s26], $0x80  }
0x47: {  	[sflag:s26] =	ssyncset.done $0x0  }
0x48: {  	[sflag:s26] =	ssyncadd.s32 $0xFFFFFF80  }
0x49: {  	_ =	swait.ge [sflag:s26], $0x80  }
0x4a: {  	[sflag:s26] =	ssyncset.done $0x0  }
0x4b: {  	s28 =	rddreg [dreg:$0xb];
	[sflag:s26] =	ssyncadd.s32 $0xFFFFFF80  }
0x4c: {  	[hbm4b:s28+s2] =	stream.linear.scatter [tilespmem:s20], [sflag:$0x5], $0x4000, $0x38;
	[tilespmem:$0x10800] =	vst v63  }
0x4d: {  	s1 =	rddreg [dreg:$0xc]  }
0x4e: {  	[hbm4b:s1+s2] =	stream.linear.scatter [tilespmem:s18], [sflag:$0x5], $0x80, $0x38;
	[tilespmem:$0x10800] =	vst v63  }
0x4f: {  	s28 =	rddreg [dreg:$0xd]  }
0x50: {  	[hbm4b:s28+s2] =	stream.linear.scatter [tilespmem:s19], [sflag:$0x5], $0x80, $0x38;
	[tilespmem:$0x10800] =	vst v63  }
0x51: {  	_ =	swait.ge [sflag:s21], $0x4000  }
0x52: {  	[sflag:s21] =	ssyncset.done $0x0  }
0x53: {  	[sflag:s21] =	ssyncadd.s32 $0xFFFFC000  }
0x54: {  	_ =	swait.ge [sflag:s21], $0x80  }
0x55: {  	[sflag:s21] =	ssyncset.done $0x0  }
0x56: {  	[sflag:s21] =	ssyncadd.s32 $0xFFFFFF80  }
0x57: {  	_ =	swait.ge [sflag:s21], $0x80  }
0x58: {  	[sflag:s21] =	ssyncset.done $0x0  }
0x59: {  	s28 =	rddreg [dreg:$0xe];
	[sflag:s21] =	ssyncadd.s32 $0xFFFFFF80  }
0x5a: {  	[hbm4b:s28+s2] =	stream.linear.scatter [tilespmem:s14], [sflag:$0x5], $0x4000, $0x38;
	[tilespmem:$0x10800] =	vst v63  }
0x5b: {  	s1 =	rddreg [dreg:$0xf]  }
0x5c: {  	[hbm4b:s1+s2] =	stream.linear.scatter [tilespmem:s15], [sflag:$0x5], $0x80, $0x38;
	[tilespmem:$0x10800] =	vst v63  }
0x5d: {  	s28 =	rddreg [dreg:$0x10]  }
0x5e: {  	[hbm4b:s28+s2] =	stream.linear.scatter [tilespmem:s16], [sflag:$0x5], $0x80, $0x38;
	[tilespmem:$0x10800] =	vst v63  }
0x5f: {  	_ =	swait.ge [sflag:s17], $0x4000  }
0x60: {  	[sflag:s17] =	ssyncset.done $0x0  }
0x61: {  	[sflag:s17] =	ssyncadd.s32 $0xFFFFC000  }
0x62: {  	_ =	swait.ge [sflag:s17], $0x80  }
0x63: {  	[sflag:s17] =	ssyncset.done $0x0  }
0x64: {  	[sflag:s17] =	ssyncadd.s32 $0xFFFFFF80  }
0x65: {  	_ =	swait.ge [sflag:s17], $0x80  }
0x66: {  	[sflag:s17] =	ssyncset.done $0x0  }
0x67: {  	s28 =	rddreg [dreg:$0x11];
	[sflag:s17] =	ssyncadd.s32 $0xFFFFFF80  }
0x68: {  	[hbm4b:s28+s2] =	stream.linear.scatter [tilespmem:s10], [sflag:$0x5], $0x4000, $0x38;
	[tilespmem:$0x10800] =	vst v63  }
0x69: {  	s1 =	rddreg [dreg:$0x12]  }
0x6a: {  	[hbm4b:s1+s2] =	stream.linear.scatter [tilespmem:s11], [sflag:$0x5], $0x80, $0x38;
	[tilespmem:$0x10800] =	vst v63  }
0x6b: {  	s28 =	rddreg [dreg:$0x13]  }
0x6c: {  	[hbm4b:s28+s2] =	stream.linear.scatter [tilespmem:s12], [sflag:$0x5], $0x80, $0x38;
	[tilespmem:$0x10800] =	vst v63  }
0x6d: {  	_ =	swait.ge [sflag:s13], $0x4000  }
0x6e: {  	[sflag:s13] =	ssyncset.done $0x0  }
0x6f: {  	[sflag:s13] =	ssyncadd.s32 $0xFFFFC000  }
0x70: {  	_ =	swait.ge [sflag:s13], $0x80  }
0x71: {  	[sflag:s13] =	ssyncset.done $0x0  }
0x72: {  	[sflag:s13] =	ssyncadd.s32 $0xFFFFFF80  }
0x73: {  	_ =	swait.ge [sflag:s13], $0x80  }
0x74: {  	[sflag:s13] =	ssyncset.done $0x0  }
0x75: {  	s28 =	rddreg [dreg:$0x14];
	[sflag:s13] =	ssyncadd.s32 $0xFFFFFF80  }
0x76: {  	[hbm4b:s28+s2] =	stream.linear.scatter [tilespmem:s7], [sflag:$0x5], $0x4000, $0x38;
	[tilespmem:$0x10800] =	vst v63  }
0x77: {  	s1 =	rddreg [dreg:$0x15]  }
0x78: {  	[hbm4b:s1+s2] =	stream.linear.scatter [tilespmem:s8], [sflag:$0x5], $0x80, $0x38;
	[tilespmem:$0x10800] =	vst v63  }
0x79: {  	s28 =	rddreg [dreg:$0x16]  }
0x7a: {  	[hbm4b:s28+s2] =	stream.linear.scatter [tilespmem:s9], [sflag:$0x5], $0x80, $0x38;
	[tilespmem:$0x10800] =	vst v63  }
0x7b: {  	_ =	swait.ge [sflag:s3], $0x4000  }
0x7c: {  	[sflag:s3] =	ssyncset.done $0x0  }
0x7d: {  	[sflag:s3] =	ssyncadd.s32 $0xFFFFC000  }
0x7e: {  	_ =	swait.ge [sflag:s3], $0x80  }
0x7f: {  	[sflag:s3] =	ssyncset.done $0x0  }
0x80: {  	[sflag:s3] =	ssyncadd.s32 $0xFFFFFF80  }
0x81: {  	_ =	swait.ge [sflag:s3], $0x80  }
0x82: {  	[sflag:s3] =	ssyncset.done $0x0  }
0x83: {  	[sflag:s3] =	ssyncadd.s32 $0xFFFFFF80  }
0x84: {  	_ =	swait.ge [sflag:s3], $0x4000  }
0x85: {  	[sflag:s3] =	ssyncset.done $0x0  }
0x86: {  	[sflag:s3] =	ssyncadd.s32 $0xFFFFC000  }
0x87: {  	_ =	swait.ge [sflag:s3], $0x80  }
0x88: {  	[sflag:s3] =	ssyncset.done $0x0  }
0x89: {  	[sflag:s3] =	ssyncadd.s32 $0xFFFFFF80  }
0x8a: {  	_ =	swait.ge [sflag:s3], $0x80  }
0x8b: {  	[sflag:s3] =	ssyncset.done $0x0  }
0x8c: {  	[sflag:s3] =	ssyncadd.s32 $0xFFFFFF80  }
0x8d: {  	_ =	swait.ge [sflag:s3], $0x4000  }
0x8e: {  	[sflag:s3] =	ssyncset.done $0x0  }
0x8f: {  	[sflag:s3] =	ssyncadd.s32 $0xFFFFC000  }
0x90: {  	_ =	swait.ge [sflag:s3], $0x80  }
0x91: {  	[sflag:s3] =	ssyncset.done $0x0  }
0x92: {  	[sflag:s3] =	ssyncadd.s32 $0xFFFFFF80  }
0x93: {  	_ =	swait.ge [sflag:s3], $0x80  }
0x94: {  	[sflag:s3] =	ssyncset.done $0x0  }
0x95: {  	[sflag:s3] =	ssyncadd.s32 $0xFFFFFF80  }
0x96: {  	_ =	swait.ge [sflag:s3], $0x4000  }
0x97: {  	[sflag:s3] =	ssyncset.done $0x0  }
0x98: {  	[sflag:s3] =	ssyncadd.s32 $0xFFFFC000  }
0x99: {  	_ =	swait.ge [sflag:s3], $0x80  }
0x9a: {  	s28 =	rddreg [dreg:$0x17]  }
0x9b: {  	p1 =	sne.s32 s28, $0x1  }
.Ltmp1:
0x9c: {  	_ = 	snop;
	(pc) =	sbr.rel @!p1 .LBB2_2-.Ltmp1, $4  }
0x9d: {  	[sflag:s3] =	ssyncset.done $0x0  }
0x9e: {  	[sflag:s3] =	ssyncadd.s32 $0xFFFFFF80  }
0x9f: {  	p0 =	por $0x1, $0x1;
	s30 =	simm.s32 $0x100;
	_ =	swait.ge [sflag:s3], $0x80  }
0xa0: {  	s1 =	sadd.s32 $0xFFFFFFFF, s28;
	s0 =	rddreg [dreg:$0x9];
	[sflag:s3] =	ssyncset.done $0x0  }
.LBB2_3:
0xa1: {  	[sflag:s3] =	ssyncadd.s32 $0xFFFFFF80  }
0xa2: {  	[tilespmem:s2], [sflag:$0x6] =	stream.linear.gather [hbm4b:s0+s2], $0x200, $0x38;
	[tilespmem:$0x10800] =	vst v63  }
0xa3: {  	_ =	swait.ge [sflag:s24], $0x200  }
0xa4: {  	[sflag:s24] =	ssyncset.done $0x0  }
0xa5: {  	s28 =	rddreg [dreg:$0xa];
	[sflag:s24] =	ssyncadd.s32 $0xFFFFFE00  }
0xa6: {  	[tilespmem:s23], [sflag:$0x6] =	stream.linear.gather [hbm4b:s28+s2], $0x200, $0x38;
	[tilespmem:$0x10800] =	vst v63  }
0xa7: {  	_ =	swait.ge [sflag:s24], $0x200  }
0xa8: {  	[sflag:s24] =	ssyncset.done $0x0  }
0xa9: {  	[sflag:s24] =	ssyncadd.s32 $0xFFFFFE00  }
0xaa: {  	[tilespmem:s20], [sflag:$0x1] =	stream.indirect.gather [hbm4b:s4+s22], $0x80, s2, s22, $0xb8;
	[tilespmem:$0x10800] =	vst v63  }
0xab: {  	_ = 	snop  }
0xac: {  	[tilespmem:s18], [sflag:$0x1] =	stream.indirect.gather [hbm4b:s5+s22], $0x1, s23, s22, $0xb8;
	[tilespmem:$0x10800] =	vst v63  }
0xad: {  	_ = 	snop  }
0xae: {  	[tilespmem:s19], [sflag:$0x1] =	stream.indirect.gather [hbm4b:s6+s22], $0x1, s23, s22, $0xb8;
	[tilespmem:$0x10800] =	vst v63  }
0xaf: {  	_ = 	snop  }
0xb0: {  	[tilespmem:s14], [sflag:$0x2] =	stream.indirect.gather [hbm4b:s4+s22], $0x80, s22, s22, $0xb8;
	[tilespmem:$0x10800] =	vst v63  }
0xb1: {  	_ = 	snop  }
0xb2: {  	[tilespmem:s15], [sflag:$0x2] =	stream.indirect.gather [hbm4b:s5+s22], $0x1, s25, s22, $0xb8;
	[tilespmem:$0x10800] =	vst v63  }
0xb3: {  	_ = 	snop  }
0xb4: {  	[tilespmem:s16], [sflag:$0x2] =	stream.indirect.gather [hbm4b:s6+s22], $0x1, s25, s22, $0xb8;
	[tilespmem:$0x10800] =	vst v63  }
0xb5: {  	_ = 	snop  }
0xb6: {  	[tilespmem:s10], [sflag:$0x3] =	stream.indirect.gather [hbm4b:s4+s22], $0x80, s30, s22, $0xb8;
	[tilespmem:$0x10800] =	vst v63  }
0xb7: {  	_ = 	snop  }
0xb8: {  	[tilespmem:s11], [sflag:$0x3] =	stream.indirect.gather [hbm4b:s5+s22], $0x1, s29, s22, $0xb8;
	[tilespmem:$0x10800] =	vst v63  }
0xb9: {  	_ = 	snop  }
0xba: {  	[tilespmem:s12], [sflag:$0x3] =	stream.indirect.gather [hbm4b:s6+s22], $0x1, s29, s22, $0xb8;
	[tilespmem:$0x10800] =	vst v63  }
0xbb: {  	s28 =	simm.s32 $0x180  }
0xbc: {  	[tilespmem:s7], [sflag:$0x4] =	stream.indirect.gather [hbm4b:s4+s22], $0x80, s28, s22, $0xb8;
	[tilespmem:$0x10800] =	vst v63  }
0xbd: {  	_ = 	snop  }
0xbe: {  	[tilespmem:s8], [sflag:$0x4] =	stream.indirect.gather [hbm4b:s5+s22], $0x1, s31, s22, $0xb8;
	[tilespmem:$0x10800] =	vst v63  }
0xbf: {  	_ = 	snop  }
0xc0: {  	[tilespmem:s9], [sflag:$0x4] =	stream.indirect.gather [hbm4b:s6+s22], $0x1, s31, s22, $0xb8;
	[tilespmem:$0x10800] =	vst v63  }
0xc1: {  	_ =	swait.ge [sflag:s26], $0x4000  }
0xc2: {  	[sflag:s26] =	ssyncset.done $0x0  }
0xc3: {  	[sflag:s26] =	ssyncadd.s32 $0xFFFFC000  }
0xc4: {  	_ =	swait.ge [sflag:s26], $0x80  }
0xc5: {  	[sflag:s26] =	ssyncset.done $0x0  }
0xc6: {  	[sflag:s26] =	ssyncadd.s32 $0xFFFFFF80  }
0xc7: {  	_ =	swait.ge [sflag:s26], $0x80  }
0xc8: {  	[sflag:s26] =	ssyncset.done $0x0  }
0xc9: {  	s0 =	rddreg [dreg:$0xb];
	[sflag:s26] =	ssyncadd.s32 $0xFFFFFF80  }
0xca: {  	[hbm4b:s0+s2] =	stream.linear.scatter [tilespmem:s20], [sflag:$0x5], $0x4000, $0x38;
	[tilespmem:$0x10800] =	vst v63  }
0xcb: {  	s28 =	rddreg [dreg:$0xc]  }
0xcc: {  	[hbm4b:s28+s2] =	stream.linear.scatter [tilespmem:s18], [sflag:$0x5], $0x80, $0x38;
	[tilespmem:$0x10800] =	vst v63  }
0xcd: {  	s0 =	rddreg [dreg:$0xd]  }
0xce: {  	[hbm4b:s0+s2] =	stream.linear.scatter [tilespmem:s19], [sflag:$0x5], $0x80, $0x38;
	[tilespmem:$0x10800] =	vst v63  }
0xcf: {  	_ =	swait.ge [sflag:s21], $0x4000  }
0xd0: {  	[sflag:s21] =	ssyncset.done $0x0  }
0xd1: {  	[sflag:s21] =	ssyncadd.s32 $0xFFFFC000  }
0xd2: {  	_ =	swait.ge [sflag:s21], $0x80  }
0xd3: {  	[sflag:s21] =	ssyncset.done $0x0  }
0xd4: {  	[sflag:s21] =	ssyncadd.s32 $0xFFFFFF80  }
0xd5: {  	_ =	swait.ge [sflag:s21], $0x80  }
0xd6: {  	[sflag:s21] =	ssyncset.done $0x0  }
0xd7: {  	s0 =	rddreg [dreg:$0xe];
	[sflag:s21] =	ssyncadd.s32 $0xFFFFFF80  }
0xd8: {  	[hbm4b:s0+s2] =	stream.linear.scatter [tilespmem:s14], [sflag:$0x5], $0x4000, $0x38;
	[tilespmem:$0x10800] =	vst v63  }
0xd9: {  	s28 =	rddreg [dreg:$0xf]  }
0xda: {  	[hbm4b:s28+s2] =	stream.linear.scatter [tilespmem:s15], [sflag:$0x5], $0x80, $0x38;
	[tilespmem:$0x10800] =	vst v63  }
0xdb: {  	s0 =	rddreg [dreg:$0x10]  }
0xdc: {  	[hbm4b:s0+s2] =	stream.linear.scatter [tilespmem:s16], [sflag:$0x5], $0x80, $0x38;
	[tilespmem:$0x10800] =	vst v63  }
0xdd: {  	_ =	swait.ge [sflag:s17], $0x4000  }
0xde: {  	[sflag:s17] =	ssyncset.done $0x0  }
0xdf: {  	[sflag:s17] =	ssyncadd.s32 $0xFFFFC000  }
0xe0: {  	_ =	swait.ge [sflag:s17], $0x80  }
0xe1: {  	[sflag:s17] =	ssyncset.done $0x0  }
0xe2: {  	[sflag:s17] =	ssyncadd.s32 $0xFFFFFF80  }
0xe3: {  	_ =	swait.ge [sflag:s17], $0x80  }
0xe4: {  	[sflag:s17] =	ssyncset.done $0x0  }
0xe5: {  	s0 =	rddreg [dreg:$0x11];
	[sflag:s17] =	ssyncadd.s32 $0xFFFFFF80  }
0xe6: {  	[hbm4b:s0+s2] =	stream.linear.scatter [tilespmem:s10], [sflag:$0x5], $0x4000, $0x38;
	[tilespmem:$0x10800] =	vst v63  }
0xe7: {  	s28 =	rddreg [dreg:$0x12]  }
0xe8: {  	[hbm4b:s28+s2] =	stream.linear.scatter [tilespmem:s11], [sflag:$0x5], $0x80, $0x38;
	[tilespmem:$0x10800] =	vst v63  }
0xe9: {  	s0 =	rddreg [dreg:$0x13]  }
0xea: {  	[hbm4b:s0+s2] =	stream.linear.scatter [tilespmem:s12], [sflag:$0x5], $0x80, $0x38;
	[tilespmem:$0x10800] =	vst v63  }
0xeb: {  	_ =	swait.ge [sflag:s13], $0x4000  }
0xec: {  	[sflag:s13] =	ssyncset.done $0x0  }
0xed: {  	[sflag:s13] =	ssyncadd.s32 $0xFFFFC000  }
0xee: {  	_ =	swait.ge [sflag:s13], $0x80  }
0xef: {  	[sflag:s13] =	ssyncset.done $0x0  }
0xf0: {  	[sflag:s13] =	ssyncadd.s32 $0xFFFFFF80  }
0xf1: {  	_ =	swait.ge [sflag:s13], $0x80  }
0xf2: {  	[sflag:s13] =	ssyncset.done $0x0  }
0xf3: {  	s0 =	rddreg [dreg:$0x14];
	[sflag:s13] =	ssyncadd.s32 $0xFFFFFF80  }
0xf4: {  	[hbm4b:s0+s2] =	stream.linear.scatter [tilespmem:s7], [sflag:$0x5], $0x4000, $0x38;
	[tilespmem:$0x10800] =	vst v63  }
0xf5: {  	s28 =	rddreg [dreg:$0x15]  }
0xf6: {  	[hbm4b:s28+s2] =	stream.linear.scatter [tilespmem:s8], [sflag:$0x5], $0x80, $0x38;
	[tilespmem:$0x10800] =	vst v63  }
0xf7: {  	s0 =	rddreg [dreg:$0x16]  }
0xf8: {  	[hbm4b:s0+s2] =	stream.linear.scatter [tilespmem:s9], [sflag:$0x5], $0x80, $0x38;
	[tilespmem:$0x10800] =	vst v63  }
0xf9: {  	_ =	swait.ge [sflag:s3], $0x4000  }
0xfa: {  	[sflag:s3] =	ssyncset.done $0x0  }
0xfb: {  	[sflag:s3] =	ssyncadd.s32 $0xFFFFC000  }
0xfc: {  	_ =	swait.ge [sflag:s3], $0x80  }
0xfd: {  	[sflag:s3] =	ssyncset.done $0x0  }
0xfe: {  	[sflag:s3] =	ssyncadd.s32 $0xFFFFFF80  }
0xff: {  	_ =	swait.ge [sflag:s3], $0x80  }
0x100: {  	[sflag:s3] =	ssyncset.done $0x0  }
0x101: {  	[sflag:s3] =	ssyncadd.s32 $0xFFFFFF80  }
0x102: {  	_ =	swait.ge [sflag:s3], $0x4000  }
0x103: {  	[sflag:s3] =	ssyncset.done $0x0  }
0x104: {  	[sflag:s3] =	ssyncadd.s32 $0xFFFFC000  }
0x105: {  	_ =	swait.ge [sflag:s3], $0x80  }
0x106: {  	[sflag:s3] =	ssyncset.done $0x0  }
0x107: {  	[sflag:s3] =	ssyncadd.s32 $0xFFFFFF80  }
0x108: {  	_ =	swait.ge [sflag:s3], $0x80  }
0x109: {  	[sflag:s3] =	ssyncset.done $0x0  }
0x10a: {  	[sflag:s3] =	ssyncadd.s32 $0xFFFFFF80  }
0x10b: {  	_ =	swait.ge [sflag:s3], $0x4000  }
0x10c: {  	[sflag:s3] =	ssyncset.done $0x0  }
0x10d: {  	[sflag:s3] =	ssyncadd.s32 $0xFFFFC000  }
0x10e: {  	_ =	swait.ge [sflag:s3], $0x80  }
0x10f: {  	[sflag:s3] =	ssyncset.done $0x0  }
0x110: {  	[sflag:s3] =	ssyncadd.s32 $0xFFFFFF80  }
0x111: {  	_ =	swait.ge [sflag:s3], $0x80  }
0x112: {  	[sflag:s3] =	ssyncset.done $0x0  }
0x113: {  	[sflag:s3] =	ssyncadd.s32 $0xFFFFFF80  }
0x114: {  	_ =	swait.ge [sflag:s3], $0x4000  }
0x115: {  	[sflag:s3] =	ssyncset.done $0x0  }
0x116: {  	p1 =	sne.s32 s1, $0x1;
	[sflag:s3] =	ssyncadd.s32 $0xFFFFC000  }
.Ltmp2:
0x117: {  	_ =	swait.ge [sflag:s3], $0x80;
	(pc) =	sbr.rel @p1 .LBB2_3-.Ltmp2, $4  }
0x118: {  	[sflag:s3] =	ssyncset.done $0x0  }
0x119: {  	[sflag:s3] =	ssyncadd.s32 $0xFFFFFF80  }
0x11a: {  	_ =	swait.ge [sflag:s3], $0x80  }
0x11b: {  	s1 =	sadd.s32 $0xFFFFFFFF, s1;
	s0 =	rddreg [dreg:$0x9];
	[sflag:s3] =	ssyncset.done $0x0  }
0x11c: {  	s28 =	stileid.u32;
	s1 =	simm.s32 $0x100;
	s30 =	simm.s32 $0x180  }
.LBB2_5:
0x11d: {  	[sflag:s3] =	ssyncadd.s32 @p0 $0xFFFFFF80  }
0x11e: {  	[tilespmem:s2], [sflag:$0x6] =	stream.linear.gather [hbm4b:s0+s2], $0x200, $0x38;
	[tilespmem:$0x10800] =	vst v63  }
0x11f: {  	_ =	swait.ge [sflag:s24], $0x200  }
0x120: {  	[sflag:s24] =	ssyncset.done $0x0  }
0x121: {  	s0 =	rddreg [dreg:$0xa];
	[sflag:s24] =	ssyncadd.s32 $0xFFFFFE00  }
0x122: {  	[tilespmem:s23], [sflag:$0x6] =	stream.linear.gather [hbm4b:s0+s2], $0x200, $0x38;
	[tilespmem:$0x10800] =	vst v63  }
0x123: {  	_ =	swait.ge [sflag:s24], $0x200  }
0x124: {  	[sflag:s24] =	ssyncset.done $0x0  }
0x125: {  	[sflag:s24] =	ssyncadd.s32 $0xFFFFFE00  }
0x126: {  	[tilespmem:s20], [sflag:$0x1] =	stream.indirect.gather [hbm4b:s4+s22], $0x80, s2, s22, $0xb8;
	[tilespmem:$0x10800] =	vst v63  }
0x127: {  	_ = 	snop  }
0x128: {  	[tilespmem:s18], [sflag:$0x1] =	stream.indirect.gather [hbm4b:s5+s22], $0x1, s23, s22, $0xb8;
	[tilespmem:$0x10800] =	vst v63  }
0x129: {  	_ = 	snop  }
0x12a: {  	[tilespmem:s19], [sflag:$0x1] =	stream.indirect.gather [hbm4b:s6+s22], $0x1, s23, s22, $0xb8;
	[tilespmem:$0x10800] =	vst v63  }
0x12b: {  	_ = 	snop  }
0x12c: {  	[tilespmem:s14], [sflag:$0x2] =	stream.indirect.gather [hbm4b:s4+s22], $0x80, s22, s22, $0xb8;
	[tilespmem:$0x10800] =	vst v63  }
0x12d: {  	_ = 	snop  }
0x12e: {  	[tilespmem:s15], [sflag:$0x2] =	stream.indirect.gather [hbm4b:s5+s22], $0x1, s25, s22, $0xb8;
	[tilespmem:$0x10800] =	vst v63  }
0x12f: {  	_ = 	snop  }
0x130: {  	[tilespmem:s16], [sflag:$0x2] =	stream.indirect.gather [hbm4b:s6+s22], $0x1, s25, s22, $0xb8;
	[tilespmem:$0x10800] =	vst v63  }
0x131: {  	_ = 	snop  }
0x132: {  	[tilespmem:s10], [sflag:$0x3] =	stream.indirect.gather [hbm4b:s4+s22], $0x80, s1, s22, $0xb8;
	[tilespmem:$0x10800] =	vst v63  }
0x133: {  	_ = 	snop  }
0x134: {  	[tilespmem:s11], [sflag:$0x3] =	stream.indirect.gather [hbm4b:s5+s22], $0x1, s29, s22, $0xb8;
	[tilespmem:$0x10800] =	vst v63  }
0x135: {  	_ = 	snop  }
0x136: {  	[tilespmem:s12], [sflag:$0x3] =	stream.indirect.gather [hbm4b:s6+s22], $0x1, s29, s22, $0xb8;
	[tilespmem:$0x10800] =	vst v63  }
0x137: {  	_ = 	snop  }
0x138: {  	[tilespmem:s7], [sflag:$0x4] =	stream.indirect.gather [hbm4b:s4+s22], $0x80, s30, s22, $0xb8;
	[tilespmem:$0x10800] =	vst v63  }
0x139: {  	_ = 	snop  }
0x13a: {  	[tilespmem:s8], [sflag:$0x4] =	stream.indirect.gather [hbm4b:s5+s22], $0x1, s31, s22, $0xb8;
	[tilespmem:$0x10800] =	vst v63  }
0x13b: {  	_ = 	snop  }
0x13c: {  	[tilespmem:s9], [sflag:$0x4] =	stream.indirect.gather [hbm4b:s6+s22], $0x1, s31, s22, $0xb8;
	[tilespmem:$0x10800] =	vst v63  }
0x13d: {  	_ =	swait.ge [sflag:s26], $0x4000  }
0x13e: {  	[sflag:s26] =	ssyncset.done $0x0  }
0x13f: {  	[sflag:s26] =	ssyncadd.s32 $0xFFFFC000  }
0x140: {  	_ =	swait.ge [sflag:s26], $0x80  }
0x141: {  	[sflag:s26] =	ssyncset.done $0x0  }
0x142: {  	[sflag:s26] =	ssyncadd.s32 $0xFFFFFF80  }
0x143: {  	_ =	swait.ge [sflag:s26], $0x80  }
0x144: {  	[sflag:s26] =	ssyncset.done $0x0  }
0x145: {  	s4 =	rddreg [dreg:$0xb];
	[sflag:s26] =	ssyncadd.s32 $0xFFFFFF80  }
0x146: {  	[hbm4b:s4+s2] =	stream.linear.scatter [tilespmem:s20], [sflag:$0x5], $0x4000, $0x38;
	[tilespmem:$0x10800] =	vst v63  }
0x147: {  	s5 =	rddreg [dreg:$0xc]  }
0x148: {  	[hbm4b:s5+s2] =	stream.linear.scatter [tilespmem:s18], [sflag:$0x5], $0x80, $0x38;
	[tilespmem:$0x10800] =	vst v63  }
0x149: {  	s6 =	rddreg [dreg:$0xd]  }
0x14a: {  	[hbm4b:s6+s2] =	stream.linear.scatter [tilespmem:s19], [sflag:$0x5], $0x80, $0x38;
	[tilespmem:$0x10800] =	vst v63  }
0x14b: {  	_ =	swait.ge [sflag:s21], $0x4000  }
0x14c: {  	[sflag:s21] =	ssyncset.done $0x0  }
0x14d: {  	[sflag:s21] =	ssyncadd.s32 $0xFFFFC000  }
0x14e: {  	_ =	swait.ge [sflag:s21], $0x80  }
0x14f: {  	[sflag:s21] =	ssyncset.done $0x0  }
0x150: {  	[sflag:s21] =	ssyncadd.s32 $0xFFFFFF80  }
0x151: {  	_ =	swait.ge [sflag:s21], $0x80  }
0x152: {  	[sflag:s21] =	ssyncset.done $0x0  }
0x153: {  	s20 =	rddreg [dreg:$0xe];
	[sflag:s21] =	ssyncadd.s32 $0xFFFFFF80  }
0x154: {  	[hbm4b:s20+s2] =	stream.linear.scatter [tilespmem:s14], [sflag:$0x5], $0x4000, $0x38;
	[tilespmem:$0x10800] =	vst v63  }
0x155: {  	s22 =	rddreg [dreg:$0xf]  }
0x156: {  	[hbm4b:s22+s2] =	stream.linear.scatter [tilespmem:s15], [sflag:$0x5], $0x80, $0x38;
	[tilespmem:$0x10800] =	vst v63  }
0x157: {  	s23 =	rddreg [dreg:$0x10]  }
0x158: {  	[hbm4b:s23+s2] =	stream.linear.scatter [tilespmem:s16], [sflag:$0x5], $0x80, $0x38;
	[tilespmem:$0x10800] =	vst v63  }
0x159: {  	_ =	swait.ge [sflag:s17], $0x4000  }
0x15a: {  	[sflag:s17] =	ssyncset.done $0x0  }
0x15b: {  	[sflag:s17] =	ssyncadd.s32 $0xFFFFC000  }
0x15c: {  	_ =	swait.ge [sflag:s17], $0x80  }
0x15d: {  	[sflag:s17] =	ssyncset.done $0x0  }
0x15e: {  	[sflag:s17] =	ssyncadd.s32 $0xFFFFFF80  }
0x15f: {  	_ =	swait.ge [sflag:s17], $0x80  }
0x160: {  	[sflag:s17] =	ssyncset.done $0x0  }
0x161: {  	s24 =	rddreg [dreg:$0x11];
	[sflag:s17] =	ssyncadd.s32 $0xFFFFFF80  }
0x162: {  	[hbm4b:s24+s2] =	stream.linear.scatter [tilespmem:s10], [sflag:$0x5], $0x4000, $0x38;
	[tilespmem:$0x10800] =	vst v63  }
0x163: {  	s25 =	rddreg [dreg:$0x12]  }
0x164: {  	[hbm4b:s25+s2] =	stream.linear.scatter [tilespmem:s11], [sflag:$0x5], $0x80, $0x38;
	[tilespmem:$0x10800] =	vst v63  }
0x165: {  	s26 =	rddreg [dreg:$0x13]  }
0x166: {  	[hbm4b:s26+s2] =	stream.linear.scatter [tilespmem:s12], [sflag:$0x5], $0x80, $0x38;
	[tilespmem:$0x10800] =	vst v63  }
0x167: {  	_ =	swait.ge [sflag:s13], $0x4000  }
0x168: {  	[sflag:s13] =	ssyncset.done $0x0  }
0x169: {  	[sflag:s13] =	ssyncadd.s32 $0xFFFFC000  }
0x16a: {  	_ =	swait.ge [sflag:s13], $0x80  }
0x16b: {  	[sflag:s13] =	ssyncset.done $0x0  }
0x16c: {  	[sflag:s13] =	ssyncadd.s32 $0xFFFFFF80  }
0x16d: {  	_ =	swait.ge [sflag:s13], $0x80  }
0x16e: {  	[sflag:s13] =	ssyncset.done $0x0  }
0x16f: {  	s29 =	rddreg [dreg:$0x14];
	[sflag:s13] =	ssyncadd.s32 $0xFFFFFF80  }
0x170: {  	[hbm4b:s29+s2] =	stream.linear.scatter [tilespmem:s7], [sflag:$0x5], $0x4000, $0x38;
	[tilespmem:$0x10800] =	vst v63  }
0x171: {  	s30 =	rddreg [dreg:$0x15]  }
0x172: {  	[hbm4b:s30+s2] =	stream.linear.scatter [tilespmem:s8], [sflag:$0x5], $0x80, $0x38;
	[tilespmem:$0x10800] =	vst v63  }
0x173: {  	s31 =	rddreg [dreg:$0x16]  }
0x174: {  	[hbm4b:s31+s2] =	stream.linear.scatter [tilespmem:s9], [sflag:$0x5], $0x80, $0x38;
	[tilespmem:$0x10800] =	vst v63  }
0x175: {  	_ =	swait.ge [sflag:s3], $0x4000  }
0x176: {  	[sflag:s3] =	ssyncset.done $0x0  }
0x177: {  	[sflag:s3] =	ssyncadd.s32 $0xFFFFC000  }
0x178: {  	_ =	swait.ge [sflag:s3], $0x80  }
0x179: {  	[sflag:s3] =	ssyncset.done $0x0  }
0x17a: {  	[sflag:s3] =	ssyncadd.s32 $0xFFFFFF80  }
0x17b: {  	_ =	swait.ge [sflag:s3], $0x80  }
0x17c: {  	[sflag:s3] =	ssyncset.done $0x0  }
0x17d: {  	[sflag:s3] =	ssyncadd.s32 $0xFFFFFF80  }
0x17e: {  	_ =	swait.ge [sflag:s3], $0x4000  }
0x17f: {  	[sflag:s3] =	ssyncset.done $0x0  }
0x180: {  	[sflag:s3] =	ssyncadd.s32 $0xFFFFC000  }
0x181: {  	_ =	swait.ge [sflag:s3], $0x80  }
0x182: {  	[sflag:s3] =	ssyncset.done $0x0  }
0x183: {  	[sflag:s3] =	ssyncadd.s32 $0xFFFFFF80  }
0x184: {  	_ =	swait.ge [sflag:s3], $0x80  }
0x185: {  	[sflag:s3] =	ssyncset.done $0x0  }
0x186: {  	[sflag:s3] =	ssyncadd.s32 $0xFFFFFF80  }
0x187: {  	_ =	swait.ge [sflag:s3], $0x4000  }
0x188: {  	[sflag:s3] =	ssyncset.done $0x0  }
0x189: {  	[sflag:s3] =	ssyncadd.s32 $0xFFFFC000  }
0x18a: {  	_ =	swait.ge [sflag:s3], $0x80  }
0x18b: {  	[sflag:s3] =	ssyncset.done $0x0  }
0x18c: {  	[sflag:s3] =	ssyncadd.s32 $0xFFFFFF80  }
0x18d: {  	_ =	swait.ge [sflag:s3], $0x80  }
0x18e: {  	[sflag:s3] =	ssyncset.done $0x0  }
0x18f: {  	[sflag:s3] =	ssyncadd.s32 $0xFFFFFF80  }
0x190: {  	_ =	swait.ge [sflag:s3], $0x4000  }
0x191: {  	[sflag:s3] =	ssyncset.done $0x0  }
0x192: {  	[sflag:s3] =	ssyncadd.s32 $0xFFFFC000  }
0x193: {  	_ =	swait.ge [sflag:s3], $0x80  }
0x194: {  	[sflag:s3] =	ssyncset.done $0x0  }
0x195: {  	[sflag:s3] =	ssyncadd.s32 $0xFFFFFF80  }
0x196: {  	_ =	swait.ge [sflag:s3], $0x80  }
0x197: {  	[sflag:s3] =	ssyncset.done $0x0  }
0x198: {  	[sflag:s3] =	ssyncadd.s32 $0xFFFFFF80  }
0x199: {  	_ =	sfence.sel $0x180000  }
0x19a: {  	[bflag:$0x0] =	sbarrier.arrive $0xFFFF  }
0x19b: {  	_ =	strace $0x90000047  }
0x19c: {  	[bflag:$0x2] =	sbarrier.arrive $0xFFFF  }
0x19d: {  	p0 =	sne.s32 s28, $0x0;
	s0 =	rddreg [dreg:$0x8]  }
0x19e: {  	s0 =	sadd.s32 @!p0 $0x100000, s0  }
0x19f: {  	[sflag:s0] =	ssyncadd.tile.s32 @!p0 $0x1;
	_ =	shalt  }
.LBB2_2:
.Ltmp3:
0x1a0: {  	(pc) =	sbr.rel .LBB2_5-.Ltmp3, $2  }
0x1a1: {  	_ =	sdelay $0x2  }
0x1a2: {  	s28 =	stileid.u32;
	s1 =	simm.s32 $0x100;
	s30 =	simm.s32 $0x180  }
.Lfunc_end2:
_tile_overlayer_lowered:
.L_overlay_start_2:
0x1a3: {  	(tag) =	ssettag $0x2  }
0x1a4: {  	s0 =	rddreg [dreg:$0x0];
	s2 =	stileid.u32  }
0x1a5: {  	s1 =	rddreg [dreg:$0x1];
	p0 =	sne.s32 s2, $0x0  }
0x1a6: {  	s3 =	rddreg [dreg:$0x2];
	[bflag:$0x3] =	sbarrier.arrive $0xFFFF;
	s2 =	simm.s32 @!p0 $0x1C06  }
0x1a7: {  	[timem:s3], [sflag:s2] =	dma.local @!p0 [hbm:s0], s1  }
0x1a8: {  	s0 =	simm.s32 @!p0 $0x6  }
0x1a9: {  	_ =	swait.ge @!p0 [sflag:s0], s1  }
0x1aa: {  	s1 =	ssub.s32 @!p0 $0x0, s1;
	[sflag:s0] =	ssyncset.done @!p0 $0x0  }
0x1ab: {  	[sflag:s0] =	ssyncadd.s32 @!p0 s1  }
0x1ac: {  	[bflag:$0x3] =	sbarrier.arrive $0xFFFF  }
0x1ad: {  	_ =	shalt  }

</sc_bundles>
